<compile_context>
chip_gen: v7x
topology: tpu7x:2x2x1
jax: 0.10.2.dev20260603
libtpu: 0.0.44.dev20260713+nightly
codegen_flags: <defaults>
</compile_context>

<pallas_src>
import functools

import jax
import jax.numpy as jnp
from jax import lax
from jax.experimental import pallas as pl
from jax.experimental.pallas import tpu as pltpu
from jax.experimental.pallas import tpu_sc as plsc

EPS = 1e-12

B, S, H = 4, 2048, 768
N = B * S
NC, NS = 2, 16
NW = NC * NS
ROWS_PER_TILE = N // NW
CHUNK = 16

TC_ROWS = 1024
PER_SEQ = S // TC_ROWS


def _sc_gather(word_table, flat_ids, n_rows):
    mesh = plsc.VectorSubcoreMesh(core_axis_name="c", subcore_axis_name="s")
    nchunk = n_rows // (NW * CHUNK)
    ids2d = flat_ids.reshape(NW * nchunk, CHUNK)

    nbuf = min(nchunk, 4)

    @functools.partial(
        pl.kernel,
        mesh=mesh,
        out_type=jax.ShapeDtypeStruct((n_rows, H), word_table.dtype),
        scratch_types=(
            [pltpu.VMEM((nchunk, CHUNK), jnp.int32)]
            + [pltpu.VMEM((CHUNK, H), jnp.float32) for _ in range(nbuf)]
            + [pltpu.SemaphoreType.DMA, pltpu.SemaphoreType.DMA]
        ),
    )
    def k(table_hbm, idx_hbm, out_hbm, idx_v, *rest):
        bufs = rest[:nbuf]
        gsem, wsem = rest[nbuf], rest[nbuf + 1]
        wid = lax.axis_index("s") * NC + lax.axis_index("c")
        pltpu.sync_copy(idx_hbm.at[pl.ds(wid * nchunk, nchunk)], idx_v)
        gd = [None] * nchunk
        wd = [None] * nchunk
        for c in range(nbuf):
            gd[c] = pltpu.async_copy(table_hbm.at[idx_v.at[c]], bufs[c], gsem)
        for c in range(nchunk):
            gd[c].wait()
            base = (wid * nchunk + c) * CHUNK
            wd[c] = pltpu.async_copy(
                bufs[c % nbuf], out_hbm.at[pl.ds(base, CHUNK)], wsem)
            nxt = c + nbuf
            if nxt < nchunk:
                wd[c].wait()
                gd[nxt] = pltpu.async_copy(
                    table_hbm.at[idx_v.at[nxt]], bufs[nxt % nbuf], gsem)
        for c in range(max(0, nchunk - nbuf), nchunk):
            wd[c].wait()

    return k(word_table, ids2d)


def _ln_body(g_ref, p_ref, tt_ref, ty_ref, w_ref, b_ref, o_ref):
    tt = tt_ref[...]
    t0 = ty_ref[0:1, :]
    t1 = ty_ref[1:2, :]
    e = g_ref[...] + p_ref[...] + t0 + tt * (t1 - t0)
    u = jnp.mean(e, axis=-1, keepdims=True)
    d = e - u
    s = jnp.mean(d * d, axis=-1, keepdims=True)
    x = d * lax.rsqrt(s + EPS)
    o_ref[...] = w_ref[...] * x + b_ref[...]


def _ln_body_alias(g_ref, p_ref, tt_ref, ty_ref, w_ref, b_ref, prev_ref, o_ref):
    del prev_ref
    _ln_body(g_ref, p_ref, tt_ref, ty_ref, w_ref, b_ref, o_ref)


NSLICE = 4
SEQ_SLICE = B // NSLICE
ROWS_SLICE = SEQ_SLICE * S


def _tc_add_ln(s, gathered_s, pos_table, tt_s, type_table, ln_weight, ln_bias,
               prev):
    blocks_slice = ROWS_SLICE // TC_ROWS
    specs = [
        pl.BlockSpec((TC_ROWS, H), lambda i: (i, 0)),
        pl.BlockSpec((TC_ROWS, H), lambda i: (i % PER_SEQ, 0)),
        pl.BlockSpec((TC_ROWS, 1), lambda i: (i, 0)),
        pl.BlockSpec((2, H), lambda i: (0, 0)),
        pl.BlockSpec((1, H), lambda i: (0, 0)),
        pl.BlockSpec((1, H), lambda i: (0, 0)),
    ]
    args = [gathered_s, pos_table, tt_s, type_table, ln_weight, ln_bias]
    if prev is None:
        body = _ln_body
        aliases = {}
    else:
        body = _ln_body_alias
        specs.append(pl.BlockSpec(memory_space=pl.ANY))
        args.append(prev)
        aliases = {6: 0}
    return pl.pallas_call(
        body,
        grid=(blocks_slice,),
        in_specs=specs,
        out_specs=pl.BlockSpec(
            (TC_ROWS, H), lambda i: (s * blocks_slice + i, 0)),
        out_shape=jax.ShapeDtypeStruct((N, H), jnp.float32),
        input_output_aliases=aliases,
        compiler_params=pltpu.CompilerParams(
            dimension_semantics=("arbitrary",)),
    )(*args)


def kernel(input_ids, token_type_ids, word_table, pos_table, type_table,
           ln_weight, ln_bias):
    flat_ids = input_ids.reshape(N).astype(jnp.int32)
    tt_col = token_type_ids.reshape(N, 1).astype(jnp.float32)
    w = ln_weight.reshape(1, H)
    b = ln_bias.reshape(1, H)
    gathered = [
        _sc_gather(word_table,
                   lax.slice_in_dim(flat_ids, s * ROWS_SLICE,
                                    (s + 1) * ROWS_SLICE),
                   ROWS_SLICE)
        for s in range(NSLICE)
    ]
    out = None
    for s in range(NSLICE):
        tt_s = lax.slice_in_dim(tt_col, s * ROWS_SLICE, (s + 1) * ROWS_SLICE)
        out = _tc_add_ln(s, gathered[s], pos_table, tt_s, type_table, w, b,
                         out)
    return out.reshape(B, S, H)

# --- scband reference (transcript-rebuilt; emitter-appended) ---
"""Pipeline reference for scband-bert-embeddings-17549236372163 (READ-ONLY COPY).

The authoritative reference and input builder live on the scoring server;
editing this copy changes nothing except your own understanding.
"""

import jax, jax.numpy as jnp
import numpy as np

VOCAB = 100000
HIDDEN = 768
MAX_POS = 2048
TYPE_VOCAB = 2
B, S = 4, 2048
EPS = 1e-12

def setup_inputs(seed: int = 0) -> dict:
    key = jax.random.key(seed)
    k1, k2, k3, k4, k5 = jax.random.split(key, 5)
    input_ids = jax.random.randint(k1, (B, S), 0, VOCAB, dtype=jnp.int64 if jax.config.jax_enable_x64 else jnp.int32)
    token_type_ids = jax.random.randint(k2, (B, S), 0, TYPE_VOCAB, dtype=input_ids.dtype)
    word_table = jax.random.normal(k3, (VOCAB, HIDDEN), dtype=jnp.float32) * 0.02
    pos_table = jax.random.normal(k4, (MAX_POS, HIDDEN), dtype=jnp.float32) * 0.02
    type_table = jax.random.normal(k5, (TYPE_VOCAB, HIDDEN), dtype=jnp.float32) * 0.02
    ln_weight = jnp.ones((HIDDEN,), dtype=jnp.float32)
    ln_bias = jnp.zeros((HIDDEN,), dtype=jnp.float32)
    return {"input_ids": input_ids, "token_type_ids": token_type_ids,
            "word_table": word_table, "pos_table": pos_table, "type_table": type_table,
            "ln_weight": ln_weight, "ln_bias": ln_bias}

def reference(input_ids, token_type_ids, word_table, pos_table, type_table, ln_weight, ln_bias):
    seq_length = input_ids.shape[1]
    position_ids = jnp.arange(seq_length, dtype=input_ids.dtype)
    position_ids = jnp.broadcast_to(position_ids[None, :], input_ids.shape)
    words_embeddings = jnp.take(word_table, input_ids, axis=0)
    position_embeddings = jnp.take(pos_table, position_ids, axis=0)
    token_type_embeddings = jnp.take(type_table, token_type_ids, axis=0)
    embeddings = words_embeddings + position_embeddings + token_type_embeddings
    u = jnp.mean(embeddings, axis=-1, keepdims=True)
    s = jnp.mean((embeddings - u) ** 2, axis=-1, keepdims=True)
    x = (embeddings - u) / jnp.sqrt(s + EPS)
    out = ln_weight * x + ln_bias
    # dropout is identity in eval/deterministic reference
    return out

if __name__ == "__main__":
    import jax
    _d = setup_inputs()
    print(jax.jit(kernel)(*tuple(_d.values())))

</pallas_src>

<mosaic_0001>
#map = affine_map<(d0, d1) -> (0, 0)>
module attributes {stable_mosaic.version = 14 : i64} {
  func.func @k(%arg0: i32, %arg1: i32, %arg2: memref<100000x768xf32, #tpu.memory_space<hbm>>, %arg3: memref<128x16xi32, #tpu.memory_space<hbm>>, %arg4: memref<2048x768xf32, #tpu.memory_space<hbm>>, %arg5: memref<4x16xi32, #tpu.memory_space<vmem>>, %arg6: memref<16x768xf32, #tpu.memory_space<vmem>>, %arg7: memref<16x768xf32, #tpu.memory_space<vmem>>, %arg8: memref<16x768xf32, #tpu.memory_space<vmem>>, %arg9: memref<16x768xf32, #tpu.memory_space<vmem>>, %arg10: memref<!tpu.dma_semaphore, #tpu.memory_space<semaphore_mem>>, %arg11: memref<!tpu.dma_semaphore, #tpu.memory_space<semaphore_mem>>) attributes {dimension_semantics = [#tpu.dimension_semantics<core_parallel>, #tpu.dimension_semantics<subcore_parallel>], iteration_bounds = array<i64: 2, 16>, scalar_prefetch = 0 : i64, scratch_operands = 7 : i64, tpu.core_type = #tpu.core_type<sc_vector_subcore>, window_params = [{transform_indices = #map}, {transform_indices = #map}, {transform_indices = #map}]} {
    %mul3A = arith.constant 2 : i32
    %mul3A_0 = arith.muli %arg1, %mul3A : i32
    %add3A = arith.addi %mul3A_0, %arg0 : i32
    %mul3A_1 = arith.constant 4 : i32
    %mul3A_2 = arith.muli %add3A, %mul3A_1 : i32
    "tpu.region"() ({
      %run_scoped3A = tpu.sem_alloc : memref<!tpu.dma_semaphore, #tpu.memory_space<semaphore_mem>>
      %dma_start3A_113 = arith.constant 0 : i32
      %dma_start3A_114 = tpu.memref_slice %arg3[%mul3A_2, %dma_start3A_113] : memref<128x16xi32, #tpu.memory_space<hbm>> -> memref<4x16xi32, #tpu.memory_space<hbm>>
      %dma_start3A_115 = arith.constant 0 : i32
      %dma_start3A_116 = tpu.memref_slice %arg3[%mul3A_2, %dma_start3A_115] : memref<128x16xi32, #tpu.memory_space<hbm>> -> memref<4x16xi32, #tpu.memory_space<hbm>>
      tpu.enqueue_dma source(%dma_start3A_116 : memref<4x16xi32, #tpu.memory_space<hbm>>) target(%arg5 : memref<4x16xi32, #tpu.memory_space<vmem>>) target_semaphore(%run_scoped3A : memref<!tpu.dma_semaphore, #tpu.memory_space<semaphore_mem>>)
      %dma_wait3A_117 = arith.constant 0 : i32
      %dma_wait3A_118 = tpu.memref_slice %arg3[%mul3A_2, %dma_wait3A_117] : memref<128x16xi32, #tpu.memory_space<hbm>> -> memref<4x16xi32, #tpu.memory_space<hbm>>
      %dma_wait3A_119 = arith.constant 0 : i32
      %dma_wait3A_120 = tpu.memref_slice %arg3[%mul3A_2, %dma_wait3A_119] : memref<128x16xi32, #tpu.memory_space<hbm>> -> memref<4x16xi32, #tpu.memory_space<hbm>>
      tpu.wait_dma2 semaphore(%run_scoped3A : memref<!tpu.dma_semaphore, #tpu.memory_space<semaphore_mem>>) src(%dma_wait3A_120 : memref<4x16xi32, #tpu.memory_space<hbm>>) dst(%arg5 : memref<4x16xi32, #tpu.memory_space<vmem>>)
      tpu.yield
    }) : () -> ()
    %dma_start3A = arith.constant 0 : i32
    %dma_start3A_3 = arith.constant 0 : i32
    %dma_start3A_4 = tpu.memref_slice %arg5[%dma_start3A, %dma_start3A_3] : memref<4x16xi32, #tpu.memory_space<vmem>> -> memref<1x16xi32, #tpu.memory_space<vmem>>
    %dma_start3A_5 = tpu.memref_squeeze %dma_start3A_4 : memref<1x16xi32, #tpu.memory_space<vmem>> -> memref<16xi32, #tpu.memory_space<vmem>>
    %dma_start3A_6 = arith.constant 0 : i32
    %dma_start3A_7 = arith.constant 0 : i32
    %dma_start3A_8 = tpu.memref_slice %arg2[%dma_start3A_6, %dma_start3A_7] : memref<100000x768xf32, #tpu.memory_space<hbm>> -> memref<100000x768xf32, #tpu.memory_space<hbm>>
    tpu.enqueue_indirect_dma source(%dma_start3A_8 : memref<100000x768xf32, #tpu.memory_space<hbm>>) target(%arg6 : memref<16x768xf32, #tpu.memory_space<vmem>>) offsets(%dma_start3A_5 : memref<16xi32, #tpu.memory_space<vmem>>) semaphore(%arg10 : memref<!tpu.dma_semaphore, #tpu.memory_space<semaphore_mem>>)
    %dma_start3A_9 = arith.constant 1 : i32
    %dma_start3A_10 = arith.constant 0 : i32
    %dma_start3A_11 = tpu.memref_slice %arg5[%dma_start3A_9, %dma_start3A_10] : memref<4x16xi32, #tpu.memory_space<vmem>> -> memref<1x16xi32, #tpu.memory_space<vmem>>
    %dma_start3A_12 = tpu.memref_squeeze %dma_start3A_11 : memref<1x16xi32, #tpu.memory_space<vmem>> -> memref<16xi32, #tpu.memory_space<vmem>>
    %dma_start3A_13 = arith.constant 0 : i32
    %dma_start3A_14 = arith.constant 0 : i32
    %dma_start3A_15 = tpu.memref_slice %arg2[%dma_start3A_13, %dma_start3A_14] : memref<100000x768xf32, #tpu.memory_space<hbm>> -> memref<100000x768xf32, #tpu.memory_space<hbm>>
    tpu.enqueue_indirect_dma source(%dma_start3A_15 : memref<100000x768xf32, #tpu.memory_space<hbm>>) target(%arg7 : memref<16x768xf32, #tpu.memory_space<vmem>>) offsets(%dma_start3A_12 : memref<16xi32, #tpu.memory_space<vmem>>) semaphore(%arg10 : memref<!tpu.dma_semaphore, #tpu.memory_space<semaphore_mem>>)
    %dma_start3A_16 = arith.constant 2 : i32
    %dma_start3A_17 = arith.constant 0 : i32
    %dma_start3A_18 = tpu.memref_slice %arg5[%dma_start3A_16, %dma_start3A_17] : memref<4x16xi32, #tpu.memory_space<vmem>> -> memref<1x16xi32, #tpu.memory_space<vmem>>
    %dma_start3A_19 = tpu.memref_squeeze %dma_start3A_18 : memref<1x16xi32, #tpu.memory_space<vmem>> -> memref<16xi32, #tpu.memory_space<vmem>>
    %dma_start3A_20 = arith.constant 0 : i32
    %dma_start3A_21 = arith.constant 0 : i32
    %dma_start3A_22 = tpu.memref_slice %arg2[%dma_start3A_20, %dma_start3A_21] : memref<100000x768xf32, #tpu.memory_space<hbm>> -> memref<100000x768xf32, #tpu.memory_space<hbm>>
    tpu.enqueue_indirect_dma source(%dma_start3A_22 : memref<100000x768xf32, #tpu.memory_space<hbm>>) target(%arg8 : memref<16x768xf32, #tpu.memory_space<vmem>>) offsets(%dma_start3A_19 : memref<16xi32, #tpu.memory_space<vmem>>) semaphore(%arg10 : memref<!tpu.dma_semaphore, #tpu.memory_space<semaphore_mem>>)
    %dma_start3A_23 = arith.constant 3 : i32
    %dma_start3A_24 = arith.constant 0 : i32
    %dma_start3A_25 = tpu.memref_slice %arg5[%dma_start3A_23, %dma_start3A_24] : memref<4x16xi32, #tpu.memory_space<vmem>> -> memref<1x16xi32, #tpu.memory_space<vmem>>
    %dma_start3A_26 = tpu.memref_squeeze %dma_start3A_25 : memref<1x16xi32, #tpu.memory_space<vmem>> -> memref<16xi32, #tpu.memory_space<vmem>>
    %dma_start3A_27 = arith.constant 0 : i32
    %dma_start3A_28 = arith.constant 0 : i32
    %dma_start3A_29 = tpu.memref_slice %arg2[%dma_start3A_27, %dma_start3A_28] : memref<100000x768xf32, #tpu.memory_space<hbm>> -> memref<100000x768xf32, #tpu.memory_space<hbm>>
    tpu.enqueue_indirect_dma source(%dma_start3A_29 : memref<100000x768xf32, #tpu.memory_space<hbm>>) target(%arg9 : memref<16x768xf32, #tpu.memory_space<vmem>>) offsets(%dma_start3A_26 : memref<16xi32, #tpu.memory_space<vmem>>) semaphore(%arg10 : memref<!tpu.dma_semaphore, #tpu.memory_space<semaphore_mem>>)
    %dma_wait3A = arith.constant 0 : i32
    %dma_wait3A_30 = arith.constant 0 : i32
    %dma_wait3A_31 = tpu.memref_slice %arg5[%dma_wait3A, %dma_wait3A_30] : memref<4x16xi32, #tpu.memory_space<vmem>> -> memref<1x16xi32, #tpu.memory_space<vmem>>
    %dma_wait3A_32 = tpu.memref_squeeze %dma_wait3A_31 : memref<1x16xi32, #tpu.memory_space<vmem>> -> memref<16xi32, #tpu.memory_space<vmem>>
    %dma_wait3A_33 = arith.constant 0 : i32
    %dma_wait3A_34 = arith.constant 0 : i32
    %dma_wait3A_35 = tpu.memref_slice %arg2[%dma_wait3A_33, %dma_wait3A_34] : memref<100000x768xf32, #tpu.memory_space<hbm>> -> memref<100000x768xf32, #tpu.memory_space<hbm>>
    tpu.wait_indirect_dma semaphore(%arg10 : memref<!tpu.dma_semaphore, #tpu.memory_space<semaphore_mem>>) src(%dma_wait3A_35 : memref<100000x768xf32, #tpu.memory_space<hbm>>) dst(%arg6 : memref<16x768xf32, #tpu.memory_space<vmem>>)
    %mul3A_36 = arith.constant 4 : i32
    %mul3A_37 = arith.muli %add3A, %mul3A_36 : i32
    %add3A_38 = arith.constant 0 : i32
    %add3A_39 = arith.addi %mul3A_37, %add3A_38 : i32
    %mul3A_40 = arith.constant 16 : i32
    %mul3A_41 = arith.muli %add3A_39, %mul3A_40 : i32
    %dma_start3A_42 = arith.constant 0 : i32
    %dma_start3A_43 = tpu.memref_slice %arg4[%mul3A_41, %dma_start3A_42] : memref<2048x768xf32, #tpu.memory_space<hbm>> -> memref<16x768xf32, #tpu.memory_space<hbm>>
    %dma_start3A_44 = arith.constant 0 : i32
    %dma_start3A_45 = tpu.memref_slice %arg4[%mul3A_41, %dma_start3A_44] : memref<2048x768xf32, #tpu.memory_space<hbm>> -> memref<16x768xf32, #tpu.memory_space<hbm>>
    tpu.enqueue_dma source(%arg6 : memref<16x768xf32, #tpu.memory_space<vmem>>) target(%dma_start3A_45 : memref<16x768xf32, #tpu.memory_space<hbm>>) target_semaphore(%arg11 : memref<!tpu.dma_semaphore, #tpu.memory_space<semaphore_mem>>)
    %dma_wait3A_46 = arith.constant 1 : i32
    %dma_wait3A_47 = arith.constant 0 : i32
    %dma_wait3A_48 = tpu.memref_slice %arg5[%dma_wait3A_46, %dma_wait3A_47] : memref<4x16xi32, #tpu.memory_space<vmem>> -> memref<1x16xi32, #tpu.memory_space<vmem>>
    %dma_wait3A_49 = tpu.memref_squeeze %dma_wait3A_48 : memref<1x16xi32, #tpu.memory_space<vmem>> -> memref<16xi32, #tpu.memory_space<vmem>>
    %dma_wait3A_50 = arith.constant 0 : i32
    %dma_wait3A_51 = arith.constant 0 : i32
    %dma_wait3A_52 = tpu.memref_slice %arg2[%dma_wait3A_50, %dma_wait3A_51] : memref<100000x768xf32, #tpu.memory_space<hbm>> -> memref<100000x768xf32, #tpu.memory_space<hbm>>
    tpu.wait_indirect_dma semaphore(%arg10 : memref<!tpu.dma_semaphore, #tpu.memory_space<semaphore_mem>>) src(%dma_wait3A_52 : memref<100000x768xf32, #tpu.memory_space<hbm>>) dst(%arg7 : memref<16x768xf32, #tpu.memory_space<vmem>>)
    %mul3A_53 = arith.constant 4 : i32
    %mul3A_54 = arith.muli %add3A, %mul3A_53 : i32
    %add3A_55 = arith.constant 1 : i32
    %add3A_56 = arith.addi %mul3A_54, %add3A_55 : i32
    %mul3A_57 = arith.constant 16 : i32
    %mul3A_58 = arith.muli %add3A_56, %mul3A_57 : i32
    %dma_start3A_59 = arith.constant 0 : i32
    %dma_start3A_60 = tpu.memref_slice %arg4[%mul3A_58, %dma_start3A_59] : memref<2048x768xf32, #tpu.memory_space<hbm>> -> memref<16x768xf32, #tpu.memory_space<hbm>>
    %dma_start3A_61 = arith.constant 0 : i32
    %dma_start3A_62 = tpu.memref_slice %arg4[%mul3A_58, %dma_start3A_61] : memref<2048x768xf32, #tpu.memory_space<hbm>> -> memref<16x768xf32, #tpu.memory_space<hbm>>
    tpu.enqueue_dma source(%arg7 : memref<16x768xf32, #tpu.memory_space<vmem>>) target(%dma_start3A_62 : memref<16x768xf32, #tpu.memory_space<hbm>>) target_semaphore(%arg11 : memref<!tpu.dma_semaphore, #tpu.memory_space<semaphore_mem>>)
    %dma_wait3A_63 = arith.constant 2 : i32
    %dma_wait3A_64 = arith.constant 0 : i32
    %dma_wait3A_65 = tpu.memref_slice %arg5[%dma_wait3A_63, %dma_wait3A_64] : memref<4x16xi32, #tpu.memory_space<vmem>> -> memref<1x16xi32, #tpu.memory_space<vmem>>
    %dma_wait3A_66 = tpu.memref_squeeze %dma_wait3A_65 : memref<1x16xi32, #tpu.memory_space<vmem>> -> memref<16xi32, #tpu.memory_space<vmem>>
    %dma_wait3A_67 = arith.constant 0 : i32
    %dma_wait3A_68 = arith.constant 0 : i32
    %dma_wait3A_69 = tpu.memref_slice %arg2[%dma_wait3A_67, %dma_wait3A_68] : memref<100000x768xf32, #tpu.memory_space<hbm>> -> memref<100000x768xf32, #tpu.memory_space<hbm>>
    tpu.wait_indirect_dma semaphore(%arg10 : memref<!tpu.dma_semaphore, #tpu.memory_space<semaphore_mem>>) src(%dma_wait3A_69 : memref<100000x768xf32, #tpu.memory_space<hbm>>) dst(%arg8 : memref<16x768xf32, #tpu.memory_space<vmem>>)
    %mul3A_70 = arith.constant 4 : i32
    %mul3A_71 = arith.muli %add3A, %mul3A_70 : i32
    %add3A_72 = arith.constant 2 : i32
    %add3A_73 = arith.addi %mul3A_71, %add3A_72 : i32
    %mul3A_74 = arith.constant 16 : i32
    %mul3A_75 = arith.muli %add3A_73, %mul3A_74 : i32
    %dma_start3A_76 = arith.constant 0 : i32
    %dma_start3A_77 = tpu.memref_slice %arg4[%mul3A_75, %dma_start3A_76] : memref<2048x768xf32, #tpu.memory_space<hbm>> -> memref<16x768xf32, #tpu.memory_space<hbm>>
    %dma_start3A_78 = arith.constant 0 : i32
    %dma_start3A_79 = tpu.memref_slice %arg4[%mul3A_75, %dma_start3A_78] : memref<2048x768xf32, #tpu.memory_space<hbm>> -> memref<16x768xf32, #tpu.memory_space<hbm>>
    tpu.enqueue_dma source(%arg8 : memref<16x768xf32, #tpu.memory_space<vmem>>) target(%dma_start3A_79 : memref<16x768xf32, #tpu.memory_space<hbm>>) target_semaphore(%arg11 : memref<!tpu.dma_semaphore, #tpu.memory_space<semaphore_mem>>)
    %dma_wait3A_80 = arith.constant 3 : i32
    %dma_wait3A_81 = arith.constant 0 : i32
    %dma_wait3A_82 = tpu.memref_slice %arg5[%dma_wait3A_80, %dma_wait3A_81] : memref<4x16xi32, #tpu.memory_space<vmem>> -> memref<1x16xi32, #tpu.memory_space<vmem>>
    %dma_wait3A_83 = tpu.memref_squeeze %dma_wait3A_82 : memref<1x16xi32, #tpu.memory_space<vmem>> -> memref<16xi32, #tpu.memory_space<vmem>>
    %dma_wait3A_84 = arith.constant 0 : i32
    %dma_wait3A_85 = arith.constant 0 : i32
    %dma_wait3A_86 = tpu.memref_slice %arg2[%dma_wait3A_84, %dma_wait3A_85] : memref<100000x768xf32, #tpu.memory_space<hbm>> -> memref<100000x768xf32, #tpu.memory_space<hbm>>
    tpu.wait_indirect_dma semaphore(%arg10 : memref<!tpu.dma_semaphore, #tpu.memory_space<semaphore_mem>>) src(%dma_wait3A_86 : memref<100000x768xf32, #tpu.memory_space<hbm>>) dst(%arg9 : memref<16x768xf32, #tpu.memory_space<vmem>>)
    %mul3A_87 = arith.constant 4 : i32
    %mul3A_88 = arith.muli %add3A, %mul3A_87 : i32
    %add3A_89 = arith.constant 3 : i32
    %add3A_90 = arith.addi %mul3A_88, %add3A_89 : i32
    %mul3A_91 = arith.constant 16 : i32
    %mul3A_92 = arith.muli %add3A_90, %mul3A_91 : i32
    %dma_start3A_93 = arith.constant 0 : i32
    %dma_start3A_94 = tpu.memref_slice %arg4[%mul3A_92, %dma_start3A_93] : memref<2048x768xf32, #tpu.memory_space<hbm>> -> memref<16x768xf32, #tpu.memory_space<hbm>>
    %dma_start3A_95 = arith.constant 0 : i32
    %dma_start3A_96 = tpu.memref_slice %arg4[%mul3A_92, %dma_start3A_95] : memref<2048x768xf32, #tpu.memory_space<hbm>> -> memref<16x768xf32, #tpu.memory_space<hbm>>
    tpu.enqueue_dma source(%arg9 : memref<16x768xf32, #tpu.memory_space<vmem>>) target(%dma_start3A_96 : memref<16x768xf32, #tpu.memory_space<hbm>>) target_semaphore(%arg11 : memref<!tpu.dma_semaphore, #tpu.memory_space<semaphore_mem>>)
    %dma_wait3A_97 = arith.constant 0 : i32
    %dma_wait3A_98 = tpu.memref_slice %arg4[%mul3A_41, %dma_wait3A_97] : memref<2048x768xf32, #tpu.memory_space<hbm>> -> memref<16x768xf32, #tpu.memory_space<hbm>>
    %dma_wait3A_99 = arith.constant 0 : i32
    %dma_wait3A_100 = tpu.memref_slice %arg4[%mul3A_41, %dma_wait3A_99] : memref<2048x768xf32, #tpu.memory_space<hbm>> -> memref<16x768xf32, #tpu.memory_space<hbm>>
    tpu.wait_dma2 semaphore(%arg11 : memref<!tpu.dma_semaphore, #tpu.memory_space<semaphore_mem>>) src(%arg6 : memref<16x768xf32, #tpu.memory_space<vmem>>) dst(%dma_wait3A_100 : memref<16x768xf32, #tpu.memory_space<hbm>>)
    %dma_wait3A_101 = arith.constant 0 : i32
    %dma_wait3A_102 = tpu.memref_slice %arg4[%mul3A_58, %dma_wait3A_101] : memref<2048x768xf32, #tpu.memory_space<hbm>> -> memref<16x768xf32, #tpu.memory_space<hbm>>
    %dma_wait3A_103 = arith.constant 0 : i32
    %dma_wait3A_104 = tpu.memref_slice %arg4[%mul3A_58, %dma_wait3A_103] : memref<2048x768xf32, #tpu.memory_space<hbm>> -> memref<16x768xf32, #tpu.memory_space<hbm>>
    tpu.wait_dma2 semaphore(%arg11 : memref<!tpu.dma_semaphore, #tpu.memory_space<semaphore_mem>>) src(%arg7 : memref<16x768xf32, #tpu.memory_space<vmem>>) dst(%dma_wait3A_104 : memref<16x768xf32, #tpu.memory_space<hbm>>)
    %dma_wait3A_105 = arith.constant 0 : i32
    %dma_wait3A_106 = tpu.memref_slice %arg4[%mul3A_75, %dma_wait3A_105] : memref<2048x768xf32, #tpu.memory_space<hbm>> -> memref<16x768xf32, #tpu.memory_space<hbm>>
    %dma_wait3A_107 = arith.constant 0 : i32
    %dma_wait3A_108 = tpu.memref_slice %arg4[%mul3A_75, %dma_wait3A_107] : memref<2048x768xf32, #tpu.memory_space<hbm>> -> memref<16x768xf32, #tpu.memory_space<hbm>>
    tpu.wait_dma2 semaphore(%arg11 : memref<!tpu.dma_semaphore, #tpu.memory_space<semaphore_mem>>) src(%arg8 : memref<16x768xf32, #tpu.memory_space<vmem>>) dst(%dma_wait3A_108 : memref<16x768xf32, #tpu.memory_space<hbm>>)
    %dma_wait3A_109 = arith.constant 0 : i32
    %dma_wait3A_110 = tpu.memref_slice %arg4[%mul3A_92, %dma_wait3A_109] : memref<2048x768xf32, #tpu.memory_space<hbm>> -> memref<16x768xf32, #tpu.memory_space<hbm>>
    %dma_wait3A_111 = arith.constant 0 : i32
    %dma_wait3A_112 = tpu.memref_slice %arg4[%mul3A_92, %dma_wait3A_111] : memref<2048x768xf32, #tpu.memory_space<hbm>> -> memref<16x768xf32, #tpu.memory_space<hbm>>
    tpu.wait_dma2 semaphore(%arg11 : memref<!tpu.dma_semaphore, #tpu.memory_space<semaphore_mem>>) src(%arg9 : memref<16x768xf32, #tpu.memory_space<vmem>>) dst(%dma_wait3A_112 : memref<16x768xf32, #tpu.memory_space<hbm>>)
    return
  }
}

#map = affine_map<(d0, d1) -> (0, 0)>
module attributes {stable_mosaic.version = 14 : i64} {
  func.func @k(%arg0: i32, %arg1: i32, %arg2: memref<100000x768xf32, #tpu.memory_space<hbm>>, %arg3: memref<128x16xi32, #tpu.memory_space<hbm>>, %arg4: memref<2048x768xf32, #tpu.memory_space<hbm>>, %arg5: memref<4x16xi32, #tpu.memory_space<vmem>>, %arg6: memref<16x768xf32, #tpu.memory_space<vmem>>, %arg7: memref<16x768xf32, #tpu.memory_space<vmem>>, %arg8: memref<16x768xf32, #tpu.memory_space<vmem>>, %arg9: memref<16x768xf32, #tpu.memory_space<vmem>>, %arg10: memref<!tpu.dma_semaphore, #tpu.memory_space<semaphore_mem>>, %arg11: memref<!tpu.dma_semaphore, #tpu.memory_space<semaphore_mem>>) attributes {dimension_semantics = [#tpu.dimension_semantics<core_parallel>, #tpu.dimension_semantics<subcore_parallel>], iteration_bounds = array<i64: 2, 16>, scalar_prefetch = 0 : i64, scratch_operands = 7 : i64, tpu.core_type = #tpu.core_type<sc_vector_subcore>, window_params = [{transform_indices = #map}, {transform_indices = #map}, {transform_indices = #map}]} {
    %mul3A = arith.constant 2 : i32
    %mul3A_0 = arith.muli %arg1, %mul3A : i32
    %add3A = arith.addi %mul3A_0, %arg0 : i32
    %mul3A_1 = arith.constant 4 : i32
    %mul3A_2 = arith.muli %add3A, %mul3A_1 : i32
    "tpu.region"() ({
      %run_scoped3A = tpu.sem_alloc : memref<!tpu.dma_semaphore, #tpu.memory_space<semaphore_mem>>
      %dma_start3A_113 = arith.constant 0 : i32
      %dma_start3A_114 = tpu.memref_slice %arg3[%mul3A_2, %dma_start3A_113] : memref<128x16xi32, #tpu.memory_space<hbm>> -> memref<4x16xi32, #tpu.memory_space<hbm>>
      %dma_start3A_115 = arith.constant 0 : i32
      %dma_start3A_116 = tpu.memref_slice %arg3[%mul3A_2, %dma_start3A_115] : memref<128x16xi32, #tpu.memory_space<hbm>> -> memref<4x16xi32, #tpu.memory_space<hbm>>
      tpu.enqueue_dma source(%dma_start3A_116 : memref<4x16xi32, #tpu.memory_space<hbm>>) target(%arg5 : memref<4x16xi32, #tpu.memory_space<vmem>>) target_semaphore(%run_scoped3A : memref<!tpu.dma_semaphore, #tpu.memory_space<semaphore_mem>>)
      %dma_wait3A_117 = arith.constant 0 : i32
      %dma_wait3A_118 = tpu.memref_slice %arg3[%mul3A_2, %dma_wait3A_117] : memref<128x16xi32, #tpu.memory_space<hbm>> -> memref<4x16xi32, #tpu.memory_space<hbm>>
      %dma_wait3A_119 = arith.constant 0 : i32
      %dma_wait3A_120 = tpu.memref_slice %arg3[%mul3A_2, %dma_wait3A_119] : memref<128x16xi32, #tpu.memory_space<hbm>> -> memref<4x16xi32, #tpu.memory_space<hbm>>
      tpu.wait_dma2 semaphore(%run_scoped3A : memref<!tpu.dma_semaphore, #tpu.memory_space<semaphore_mem>>) src(%dma_wait3A_120 : memref<4x16xi32, #tpu.memory_space<hbm>>) dst(%arg5 : memref<4x16xi32, #tpu.memory_space<vmem>>)
      tpu.yield
    }) : () -> ()
    %dma_start3A = arith.constant 0 : i32
    %dma_start3A_3 = arith.constant 0 : i32
    %dma_start3A_4 = tpu.memref_slice %arg5[%dma_start3A, %dma_start3A_3] : memref<4x16xi32, #tpu.memory_space<vmem>> -> memref<1x16xi32, #tpu.memory_space<vmem>>
    %dma_start3A_5 = tpu.memref_squeeze %dma_start3A_4 : memref<1x16xi32, #tpu.memory_space<vmem>> -> memref<16xi32, #tpu.memory_space<vmem>>
    %dma_start3A_6 = arith.constant 0 : i32
    %dma_start3A_7 = arith.constant 0 : i32
    %dma_start3A_8 = tpu.memref_slice %arg2[%dma_start3A_6, %dma_start3A_7] : memref<100000x768xf32, #tpu.memory_space<hbm>> -> memref<100000x768xf32, #tpu.memory_space<hbm>>
    tpu.enqueue_indirect_dma source(%dma_start3A_8 : memref<100000x768xf32, #tpu.memory_space<hbm>>) target(%arg6 : memref<16x768xf32, #tpu.memory_space<vmem>>) offsets(%dma_start3A_5 : memref<16xi32, #tpu.memory_space<vmem>>) semaphore(%arg10 : memref<!tpu.dma_semaphore, #tpu.memory_space<semaphore_mem>>)
    %dma_start3A_9 = arith.constant 1 : i32
    %dma_start3A_10 = arith.constant 0 : i32
    %dma_start3A_11 = tpu.memref_slice %arg5[%dma_start3A_9, %dma_start3A_10] : memref<4x16xi32, #tpu.memory_space<vmem>> -> memref<1x16xi32, #tpu.memory_space<vmem>>
    %dma_start3A_12 = tpu.memref_squeeze %dma_start3A_11 : memref<1x16xi32, #tpu.memory_space<vmem>> -> memref<16xi32, #tpu.memory_space<vmem>>
    %dma_start3A_13 = arith.constant 0 : i32
    %dma_start3A_14 = arith.constant 0 : i32
    %dma_start3A_15 = tpu.memref_slice %arg2[%dma_start3A_13, %dma_start3A_14] : memref<100000x768xf32, #tpu.memory_space<hbm>> -> memref<100000x768xf32, #tpu.memory_space<hbm>>
    tpu.enqueue_indirect_dma source(%dma_start3A_15 : memref<100000x768xf32, #tpu.memory_space<hbm>>) target(%arg7 : memref<16x768xf32, #tpu.memory_space<vmem>>) offsets(%dma_start3A_12 : memref<16xi32, #tpu.memory_space<vmem>>) semaphore(%arg10 : memref<!tpu.dma_semaphore, #tpu.memory_space<semaphore_mem>>)
    %dma_start3A_16 = arith.constant 2 : i32
    %dma_start3A_17 = arith.constant 0 : i32
    %dma_start3A_18 = tpu.memref_slice %arg5[%dma_start3A_16, %dma_start3A_17] : memref<4x16xi32, #tpu.memory_space<vmem>> -> memref<1x16xi32, #tpu.memory_space<vmem>>
    %dma_start3A_19 = tpu.memref_squeeze %dma_start3A_18 : memref<1x16xi32, #tpu.memory_space<vmem>> -> memref<16xi32, #tpu.memory_space<vmem>>
    %dma_start3A_20 = arith.constant 0 : i32
    %dma_start3A_21 = arith.constant 0 : i32
    %dma_start3A_22 = tpu.memref_slice %arg2[%dma_start3A_20, %dma_start3A_21] : memref<100000x768xf32, #tpu.memory_space<hbm>> -> memref<100000x768xf32, #tpu.memory_space<hbm>>
    tpu.enqueue_indirect_dma source(%dma_start3A_22 : memref<100000x768xf32, #tpu.memory_space<hbm>>) target(%arg8 : memref<16x768xf32, #tpu.memory_space<vmem>>) offsets(%dma_start3A_19 : memref<16xi32, #tpu.memory_space<vmem>>) semaphore(%arg10 : memref<!tpu.dma_semaphore, #tpu.memory_space<semaphore_mem>>)
    %dma_start3A_23 = arith.constant 3 : i32
    %dma_start3A_24 = arith.constant 0 : i32
    %dma_start3A_25 = tpu.memref_slice %arg5[%dma_start3A_23, %dma_start3A_24] : memref<4x16xi32, #tpu.memory_space<vmem>> -> memref<1x16xi32, #tpu.memory_space<vmem>>
    %dma_start3A_26 = tpu.memref_squeeze %dma_start3A_25 : memref<1x16xi32, #tpu.memory_space<vmem>> -> memref<16xi32, #tpu.memory_space<vmem>>
    %dma_start3A_27 = arith.constant 0 : i32
    %dma_start3A_28 = arith.constant 0 : i32
    %dma_start3A_29 = tpu.memref_slice %arg2[%dma_start3A_27, %dma_start3A_28] : memref<100000x768xf32, #tpu.memory_space<hbm>> -> memref<100000x768xf32, #tpu.memory_space<hbm>>
    tpu.enqueue_indirect_dma source(%dma_start3A_29 : memref<100000x768xf32, #tpu.memory_space<hbm>>) target(%arg9 : memref<16x768xf32, #tpu.memory_space<vmem>>) offsets(%dma_start3A_26 : memref<16xi32, #tpu.memory_space<vmem>>) semaphore(%arg10 : memref<!tpu.dma_semaphore, #tpu.memory_space<semaphore_mem>>)
    %dma_wait3A = arith.constant 0 : i32
    %dma_wait3A_30 = arith.constant 0 : i32
    %dma_wait3A_31 = tpu.memref_slice %arg5[%dma_wait3A, %dma_wait3A_30] : memref<4x16xi32, #tpu.memory_space<vmem>> -> memref<1x16xi32, #tpu.memory_space<vmem>>
    %dma_wait3A_32 = tpu.memref_squeeze %dma_wait3A_31 : memref<1x16xi32, #tpu.memory_space<vmem>> -> memref<16xi32, #tpu.memory_space<vmem>>
    %dma_wait3A_33 = arith.constant 0 : i32
    %dma_wait3A_34 = arith.constant 0 : i32
    %dma_wait3A_35 = tpu.memref_slice %arg2[%dma_wait3A_33, %dma_wait3A_34] : memref<100000x768xf32, #tpu.memory_space<hbm>> -> memref<100000x768xf32, #tpu.memory_space<hbm>>
    tpu.wait_indirect_dma semaphore(%arg10 : memref<!tpu.dma_semaphore, #tpu.memory_space<semaphore_mem>>) src(%dma_wait3A_35 : memref<100000x768xf32, #tpu.memory_space<hbm>>) dst(%arg6 : memref<16x768xf32, #tpu.memory_space<vmem>>)
    %mul3A_36 = arith.constant 4 : i32
    %mul3A_37 = arith.muli %add3A, %mul3A_36 : i32
    %add3A_38 = arith.constant 0 : i32
    %add3A_39 = arith.addi %mul3A_37, %add3A_38 : i32
    %mul3A_40 = arith.constant 16 : i32
    %mul3A_41 = arith.muli %add3A_39, %mul3A_40 : i32
    %dma_start3A_42 = arith.constant 0 : i32
    %dma_start3A_43 = tpu.memref_slice %arg4[%mul3A_41, %dma_start3A_42] : memref<2048x768xf32, #tpu.memory_space<hbm>> -> memref<16x768xf32, #tpu.memory_space<hbm>>
    %dma_start3A_44 = arith.constant 0 : i32
    %dma_start3A_45 = tpu.memref_slice %arg4[%mul3A_41, %dma_start3A_44] : memref<2048x768xf32, #tpu.memory_space<hbm>> -> memref<16x768xf32, #tpu.memory_space<hbm>>
    tpu.enqueue_dma source(%arg6 : memref<16x768xf32, #tpu.memory_space<vmem>>) target(%dma_start3A_45 : memref<16x768xf32, #tpu.memory_space<hbm>>) target_semaphore(%arg11 : memref<!tpu.dma_semaphore, #tpu.memory_space<semaphore_mem>>)
    %dma_wait3A_46 = arith.constant 1 : i32
    %dma_wait3A_47 = arith.constant 0 : i32
    %dma_wait3A_48 = tpu.memref_slice %arg5[%dma_wait3A_46, %dma_wait3A_47] : memref<4x16xi32, #tpu.memory_space<vmem>> -> memref<1x16xi32, #tpu.memory_space<vmem>>
    %dma_wait3A_49 = tpu.memref_squeeze %dma_wait3A_48 : memref<1x16xi32, #tpu.memory_space<vmem>> -> memref<16xi32, #tpu.memory_space<vmem>>
    %dma_wait3A_50 = arith.constant 0 : i32
    %dma_wait3A_51 = arith.constant 0 : i32
    %dma_wait3A_52 = tpu.memref_slice %arg2[%dma_wait3A_50, %dma_wait3A_51] : memref<100000x768xf32, #tpu.memory_space<hbm>> -> memref<100000x768xf32, #tpu.memory_space<hbm>>
    tpu.wait_indirect_dma semaphore(%arg10 : memref<!tpu.dma_semaphore, #tpu.memory_space<semaphore_mem>>) src(%dma_wait3A_52 : memref<100000x768xf32, #tpu.memory_space<hbm>>) dst(%arg7 : memref<16x768xf32, #tpu.memory_space<vmem>>)
    %mul3A_53 = arith.constant 4 : i32
    %mul3A_54 = arith.muli %add3A, %mul3A_53 : i32
    %add3A_55 = arith.constant 1 : i32
    %add3A_56 = arith.addi %mul3A_54, %add3A_55 : i32
    %mul3A_57 = arith.constant 16 : i32
    %mul3A_58 = arith.muli %add3A_56, %mul3A_57 : i32
    %dma_start3A_59 = arith.constant 0 : i32
    %dma_start3A_60 = tpu.memref_slice %arg4[%mul3A_58, %dma_start3A_59] : memref<2048x768xf32, #tpu.memory_space<hbm>> -> memref<16x768xf32, #tpu.memory_space<hbm>>
    %dma_start3A_61 = arith.constant 0 : i32
    %dma_start3A_62 = tpu.memref_slice %arg4[%mul3A_58, %dma_start3A_61] : memref<2048x768xf32, #tpu.memory_space<hbm>> -> memref<16x768xf32, #tpu.memory_space<hbm>>
    tpu.enqueue_dma source(%arg7 : memref<16x768xf32, #tpu.memory_space<vmem>>) target(%dma_start3A_62 : memref<16x768xf32, #tpu.memory_space<hbm>>) target_semaphore(%arg11 : memref<!tpu.dma_semaphore, #tpu.memory_space<semaphore_mem>>)
    %dma_wait3A_63 = arith.constant 2 : i32
    %dma_wait3A_64 = arith.constant 0 : i32
    %dma_wait3A_65 = tpu.memref_slice %arg5[%dma_wait3A_63, %dma_wait3A_64] : memref<4x16xi32, #tpu.memory_space<vmem>> -> memref<1x16xi32, #tpu.memory_space<vmem>>
    %dma_wait3A_66 = tpu.memref_squeeze %dma_wait3A_65 : memref<1x16xi32, #tpu.memory_space<vmem>> -> memref<16xi32, #tpu.memory_space<vmem>>
    %dma_wait3A_67 = arith.constant 0 : i32
    %dma_wait3A_68 = arith.constant 0 : i32
    %dma_wait3A_69 = tpu.memref_slice %arg2[%dma_wait3A_67, %dma_wait3A_68] : memref<100000x768xf32, #tpu.memory_space<hbm>> -> memref<100000x768xf32, #tpu.memory_space<hbm>>
    tpu.wait_indirect_dma semaphore(%arg10 : memref<!tpu.dma_semaphore, #tpu.memory_space<semaphore_mem>>) src(%dma_wait3A_69 : memref<100000x768xf32, #tpu.memory_space<hbm>>) dst(%arg8 : memref<16x768xf32, #tpu.memory_space<vmem>>)
    %mul3A_70 = arith.constant 4 : i32
    %mul3A_71 = arith.muli %add3A, %mul3A_70 : i32
    %add3A_72 = arith.constant 2 : i32
    %add3A_73 = arith.addi %mul3A_71, %add3A_72 : i32
    %mul3A_74 = arith.constant 16 : i32
    %mul3A_75 = arith.muli %add3A_73, %mul3A_74 : i32
    %dma_start3A_76 = arith.constant 0 : i32
    %dma_start3A_77 = tpu.memref_slice %arg4[%mul3A_75, %dma_start3A_76] : memref<2048x768xf32, #tpu.memory_space<hbm>> -> memref<16x768xf32, #tpu.memory_space<hbm>>
    %dma_start3A_78 = arith.constant 0 : i32
    %dma_start3A_79 = tpu.memref_slice %arg4[%mul3A_75, %dma_start3A_78] : memref<2048x768xf32, #tpu.memory_space<hbm>> -> memref<16x768xf32, #tpu.memory_space<hbm>>
    tpu.enqueue_dma source(%arg8 : memref<16x768xf32, #tpu.memory_space<vmem>>) target(%dma_start3A_79 : memref<16x768xf32, #tpu.memory_space<hbm>>) target_semaphore(%arg11 : memref<!tpu.dma_semaphore, #tpu.memory_space<semaphore_mem>>)
    %dma_wait3A_80 = arith.constant 3 : i32
    %dma_wait3A_81 = arith.constant 0 : i32
    %dma_wait3A_82 = tpu.memref_slice %arg5[%dma_wait3A_80, %dma_wait3A_81] : memref<4x16xi32, #tpu.memory_space<vmem>> -> memref<1x16xi32, #tpu.memory_space<vmem>>
    %dma_wait3A_83 = tpu.memref_squeeze %dma_wait3A_82 : memref<1x16xi32, #tpu.memory_space<vmem>> -> memref<16xi32, #tpu.memory_space<vmem>>
    %dma_wait3A_84 = arith.constant 0 : i32
    %dma_wait3A_85 = arith.constant 0 : i32
    %dma_wait3A_86 = tpu.memref_slice %arg2[%dma_wait3A_84, %dma_wait3A_85] : memref<100000x768xf32, #tpu.memory_space<hbm>> -> memref<100000x768xf32, #tpu.memory_space<hbm>>
    tpu.wait_indirect_dma semaphore(%arg10 : memref<!tpu.dma_semaphore, #tpu.memory_space<semaphore_mem>>) src(%dma_wait3A_86 : memref<100000x768xf32, #tpu.memory_space<hbm>>) dst(%arg9 : memref<16x768xf32, #tpu.memory_space<vmem>>)
    %mul3A_87 = arith.constant 4 : i32
    %mul3A_88 = arith.muli %add3A, %mul3A_87 : i32
    %add3A_89 = arith.constant 3 : i32
    %add3A_90 = arith.addi %mul3A_88, %add3A_89 : i32
    %mul3A_91 = arith.constant 16 : i32
    %mul3A_92 = arith.muli %add3A_90, %mul3A_91 : i32
    %dma_start3A_93 = arith.constant 0 : i32
    %dma_start3A_94 = tpu.memref_slice %arg4[%mul3A_92, %dma_start3A_93] : memref<2048x768xf32, #tpu.memory_space<hbm>> -> memref<16x768xf32, #tpu.memory_space<hbm>>
    %dma_start3A_95 = arith.constant 0 : i32
    %dma_start3A_96 = tpu.memref_slice %arg4[%mul3A_92, %dma_start3A_95] : memref<2048x768xf32, #tpu.memory_space<hbm>> -> memref<16x768xf32, #tpu.memory_space<hbm>>
    tpu.enqueue_dma source(%arg9 : memref<16x768xf32, #tpu.memory_space<vmem>>) target(%dma_start3A_96 : memref<16x768xf32, #tpu.memory_space<hbm>>) target_semaphore(%arg11 : memref<!tpu.dma_semaphore, #tpu.memory_space<semaphore_mem>>)
    %dma_wait3A_97 = arith.constant 0 : i32
    %dma_wait3A_98 = tpu.memref_slice %arg4[%mul3A_41, %dma_wait3A_97] : memref<2048x768xf32, #tpu.memory_space<hbm>> -> memref<16x768xf32, #tpu.memory_space<hbm>>
    %dma_wait3A_99 = arith.constant 0 : i32
    %dma_wait3A_100 = tpu.memref_slice %arg4[%mul3A_41, %dma_wait3A_99] : memref<2048x768xf32, #tpu.memory_space<hbm>> -> memref<16x768xf32, #tpu.memory_space<hbm>>
    tpu.wait_dma2 semaphore(%arg11 : memref<!tpu.dma_semaphore, #tpu.memory_space<semaphore_mem>>) src(%arg6 : memref<16x768xf32, #tpu.memory_space<vmem>>) dst(%dma_wait3A_100 : memref<16x768xf32, #tpu.memory_space<hbm>>)
    %dma_wait3A_101 = arith.constant 0 : i32
    %dma_wait3A_102 = tpu.memref_slice %arg4[%mul3A_58, %dma_wait3A_101] : memref<2048x768xf32, #tpu.memory_space<hbm>> -> memref<16x768xf32, #tpu.memory_space<hbm>>
    %dma_wait3A_103 = arith.constant 0 : i32
    %dma_wait3A_104 = tpu.memref_slice %arg4[%mul3A_58, %dma_wait3A_103] : memref<2048x768xf32, #tpu.memory_space<hbm>> -> memref<16x768xf32, #tpu.memory_space<hbm>>
    tpu.wait_dma2 semaphore(%arg11 : memref<!tpu.dma_semaphore, #tpu.memory_space<semaphore_mem>>) src(%arg7 : memref<16x768xf32, #tpu.memory_space<vmem>>) dst(%dma_wait3A_104 : memref<16x768xf32, #tpu.memory_space<hbm>>)
    %dma_wait3A_105 = arith.constant 0 : i32
    %dma_wait3A_106 = tpu.memref_slice %arg4[%mul3A_75, %dma_wait3A_105] : memref<2048x768xf32, #tpu.memory_space<hbm>> -> memref<16x768xf32, #tpu.memory_space<hbm>>
    %dma_wait3A_107 = arith.constant 0 : i32
    %dma_wait3A_108 = tpu.memref_slice %arg4[%mul3A_75, %dma_wait3A_107] : memref<2048x768xf32, #tpu.memory_space<hbm>> -> memref<16x768xf32, #tpu.memory_space<hbm>>
    tpu.wait_dma2 semaphore(%arg11 : memref<!tpu.dma_semaphore, #tpu.memory_space<semaphore_mem>>) src(%arg8 : memref<16x768xf32, #tpu.memory_space<vmem>>) dst(%dma_wait3A_108 : memref<16x768xf32, #tpu.memory_space<hbm>>)
    %dma_wait3A_109 = arith.constant 0 : i32
    %dma_wait3A_110 = tpu.memref_slice %arg4[%mul3A_92, %dma_wait3A_109] : memref<2048x768xf32, #tpu.memory_space<hbm>> -> memref<16x768xf32, #tpu.memory_space<hbm>>
    %dma_wait3A_111 = arith.constant 0 : i32
    %dma_wait3A_112 = tpu.memref_slice %arg4[%mul3A_92, %dma_wait3A_111] : memref<2048x768xf32, #tpu.memory_space<hbm>> -> memref<16x768xf32, #tpu.memory_space<hbm>>
    tpu.wait_dma2 semaphore(%arg11 : memref<!tpu.dma_semaphore, #tpu.memory_space<semaphore_mem>>) src(%arg9 : memref<16x768xf32, #tpu.memory_space<vmem>>) dst(%dma_wait3A_112 : memref<16x768xf32, #tpu.memory_space<hbm>>)
    return
  }
}

#map = affine_map<(d0, d1) -> (0, 0)>
module attributes {stable_mosaic.version = 14 : i64} {
  func.func @k(%arg0: i32, %arg1: i32, %arg2: memref<100000x768xf32, #tpu.memory_space<hbm>>, %arg3: memref<128x16xi32, #tpu.memory_space<hbm>>, %arg4: memref<2048x768xf32, #tpu.memory_space<hbm>>, %arg5: memref<4x16xi32, #tpu.memory_space<vmem>>, %arg6: memref<16x768xf32, #tpu.memory_space<vmem>>, %arg7: memref<16x768xf32, #tpu.memory_space<vmem>>, %arg8: memref<16x768xf32, #tpu.memory_space<vmem>>, %arg9: memref<16x768xf32, #tpu.memory_space<vmem>>, %arg10: memref<!tpu.dma_semaphore, #tpu.memory_space<semaphore_mem>>, %arg11: memref<!tpu.dma_semaphore, #tpu.memory_space<semaphore_mem>>) attributes {dimension_semantics = [#tpu.dimension_semantics<core_parallel>, #tpu.dimension_semantics<subcore_parallel>], iteration_bounds = array<i64: 2, 16>, scalar_prefetch = 0 : i64, scratch_operands = 7 : i64, tpu.core_type = #tpu.core_type<sc_vector_subcore>, window_params = [{transform_indices = #map}, {transform_indices = #map}, {transform_indices = #map}]} {
    %mul3A = arith.constant 2 : i32
    %mul3A_0 = arith.muli %arg1, %mul3A : i32
    %add3A = arith.addi %mul3A_0, %arg0 : i32
    %mul3A_1 = arith.constant 4 : i32
    %mul3A_2 = arith.muli %add3A, %mul3A_1 : i32
    "tpu.region"() ({
      %run_scoped3A = tpu.sem_alloc : memref<!tpu.dma_semaphore, #tpu.memory_space<semaphore_mem>>
      %dma_start3A_113 = arith.constant 0 : i32
      %dma_start3A_114 = tpu.memref_slice %arg3[%mul3A_2, %dma_start3A_113] : memref<128x16xi32, #tpu.memory_space<hbm>> -> memref<4x16xi32, #tpu.memory_space<hbm>>
      %dma_start3A_115 = arith.constant 0 : i32
      %dma_start3A_116 = tpu.memref_slice %arg3[%mul3A_2, %dma_start3A_115] : memref<128x16xi32, #tpu.memory_space<hbm>> -> memref<4x16xi32, #tpu.memory_space<hbm>>
      tpu.enqueue_dma source(%dma_start3A_116 : memref<4x16xi32, #tpu.memory_space<hbm>>) target(%arg5 : memref<4x16xi32, #tpu.memory_space<vmem>>) target_semaphore(%run_scoped3A : memref<!tpu.dma_semaphore, #tpu.memory_space<semaphore_mem>>)
      %dma_wait3A_117 = arith.constant 0 : i32
      %dma_wait3A_118 = tpu.memref_slice %arg3[%mul3A_2, %dma_wait3A_117] : memref<128x16xi32, #tpu.memory_space<hbm>> -> memref<4x16xi32, #tpu.memory_space<hbm>>
      %dma_wait3A_119 = arith.constant 0 : i32
      %dma_wait3A_120 = tpu.memref_slice %arg3[%mul3A_2, %dma_wait3A_119] : memref<128x16xi32, #tpu.memory_space<hbm>> -> memref<4x16xi32, #tpu.memory_space<hbm>>
      tpu.wait_dma2 semaphore(%run_scoped3A : memref<!tpu.dma_semaphore, #tpu.memory_space<semaphore_mem>>) src(%dma_wait3A_120 : memref<4x16xi32, #tpu.memory_space<hbm>>) dst(%arg5 : memref<4x16xi32, #tpu.memory_space<vmem>>)
      tpu.yield
    }) : () -> ()
    %dma_start3A = arith.constant 0 : i32
    %dma_start3A_3 = arith.constant 0 : i32
    %dma_start3A_4 = tpu.memref_slice %arg5[%dma_start3A, %dma_start3A_3] : memref<4x16xi32, #tpu.memory_space<vmem>> -> memref<1x16xi32, #tpu.memory_space<vmem>>
    %dma_start3A_5 = tpu.memref_squeeze %dma_start3A_4 : memref<1x16xi32, #tpu.memory_space<vmem>> -> memref<16xi32, #tpu.memory_space<vmem>>
    %dma_start3A_6 = arith.constant 0 : i32
    %dma_start3A_7 = arith.constant 0 : i32
    %dma_start3A_8 = tpu.memref_slice %arg2[%dma_start3A_6, %dma_start3A_7] : memref<100000x768xf32, #tpu.memory_space<hbm>> -> memref<100000x768xf32, #tpu.memory_space<hbm>>
    tpu.enqueue_indirect_dma source(%dma_start3A_8 : memref<100000x768xf32, #tpu.memory_space<hbm>>) target(%arg6 : memref<16x768xf32, #tpu.memory_space<vmem>>) offsets(%dma_start3A_5 : memref<16xi32, #tpu.memory_space<vmem>>) semaphore(%arg10 : memref<!tpu.dma_semaphore, #tpu.memory_space<semaphore_mem>>)
    %dma_start3A_9 = arith.constant 1 : i32
    %dma_start3A_10 = arith.constant 0 : i32
    %dma_start3A_11 = tpu.memref_slice %arg5[%dma_start3A_9, %dma_start3A_10] : memref<4x16xi32, #tpu.memory_space<vmem>> -> memref<1x16xi32, #tpu.memory_space<vmem>>
    %dma_start3A_12 = tpu.memref_squeeze %dma_start3A_11 : memref<1x16xi32, #tpu.memory_space<vmem>> -> memref<16xi32, #tpu.memory_space<vmem>>
    %dma_start3A_13 = arith.constant 0 : i32
    %dma_start3A_14 = arith.constant 0 : i32
    %dma_start3A_15 = tpu.memref_slice %arg2[%dma_start3A_13, %dma_start3A_14] : memref<100000x768xf32, #tpu.memory_space<hbm>> -> memref<100000x768xf32, #tpu.memory_space<hbm>>
    tpu.enqueue_indirect_dma source(%dma_start3A_15 : memref<100000x768xf32, #tpu.memory_space<hbm>>) target(%arg7 : memref<16x768xf32, #tpu.memory_space<vmem>>) offsets(%dma_start3A_12 : memref<16xi32, #tpu.memory_space<vmem>>) semaphore(%arg10 : memref<!tpu.dma_semaphore, #tpu.memory_space<semaphore_mem>>)
    %dma_start3A_16 = arith.constant 2 : i32
    %dma_start3A_17 = arith.constant 0 : i32
    %dma_start3A_18 = tpu.memref_slice %arg5[%dma_start3A_16, %dma_start3A_17] : memref<4x16xi32, #tpu.memory_space<vmem>> -> memref<1x16xi32, #tpu.memory_space<vmem>>
    %dma_start3A_19 = tpu.memref_squeeze %dma_start3A_18 : memref<1x16xi32, #tpu.memory_space<vmem>> -> memref<16xi32, #tpu.memory_space<vmem>>
    %dma_start3A_20 = arith.constant 0 : i32
    %dma_start3A_21 = arith.constant 0 : i32
    %dma_start3A_22 = tpu.memref_slice %arg2[%dma_start3A_20, %dma_start3A_21] : memref<100000x768xf32, #tpu.memory_space<hbm>> -> memref<100000x768xf32, #tpu.memory_space<hbm>>
    tpu.enqueue_indirect_dma source(%dma_start3A_22 : memref<100000x768xf32, #tpu.memory_space<hbm>>) target(%arg8 : memref<16x768xf32, #tpu.memory_space<vmem>>) offsets(%dma_start3A_19 : memref<16xi32, #tpu.memory_space<vmem>>) semaphore(%arg10 : memref<!tpu.dma_semaphore, #tpu.memory_space<semaphore_mem>>)
    %dma_start3A_23 = arith.constant 3 : i32
    %dma_start3A_24 = arith.constant 0 : i32
    %dma_start3A_25 = tpu.memref_slice %arg5[%dma_start3A_23, %dma_start3A_24] : memref<4x16xi32, #tpu.memory_space<vmem>> -> memref<1x16xi32, #tpu.memory_space<vmem>>
    %dma_start3A_26 = tpu.memref_squeeze %dma_start3A_25 : memref<1x16xi32, #tpu.memory_space<vmem>> -> memref<16xi32, #tpu.memory_space<vmem>>
    %dma_start3A_27 = arith.constant 0 : i32
    %dma_start3A_28 = arith.constant 0 : i32
    %dma_start3A_29 = tpu.memref_slice %arg2[%dma_start3A_27, %dma_start3A_28] : memref<100000x768xf32, #tpu.memory_space<hbm>> -> memref<100000x768xf32, #tpu.memory_space<hbm>>
    tpu.enqueue_indirect_dma source(%dma_start3A_29 : memref<100000x768xf32, #tpu.memory_space<hbm>>) target(%arg9 : memref<16x768xf32, #tpu.memory_space<vmem>>) offsets(%dma_start3A_26 : memref<16xi32, #tpu.memory_space<vmem>>) semaphore(%arg10 : memref<!tpu.dma_semaphore, #tpu.memory_space<semaphore_mem>>)
    %dma_wait3A = arith.constant 0 : i32
    %dma_wait3A_30 = arith.constant 0 : i32
    %dma_wait3A_31 = tpu.memref_slice %arg5[%dma_wait3A, %dma_wait3A_30] : memref<4x16xi32, #tpu.memory_space<vmem>> -> memref<1x16xi32, #tpu.memory_space<vmem>>
    %dma_wait3A_32 = tpu.memref_squeeze %dma_wait3A_31 : memref<1x16xi32, #tpu.memory_space<vmem>> -> memref<16xi32, #tpu.memory_space<vmem>>
    %dma_wait3A_33 = arith.constant 0 : i32
    %dma_wait3A_34 = arith.constant 0 : i32
    %dma_wait3A_35 = tpu.memref_slice %arg2[%dma_wait3A_33, %dma_wait3A_34] : memref<100000x768xf32, #tpu.memory_space<hbm>> -> memref<100000x768xf32, #tpu.memory_space<hbm>>
    tpu.wait_indirect_dma semaphore(%arg10 : memref<!tpu.dma_semaphore, #tpu.memory_space<semaphore_mem>>) src(%dma_wait3A_35 : memref<100000x768xf32, #tpu.memory_space<hbm>>) dst(%arg6 : memref<16x768xf32, #tpu.memory_space<vmem>>)
    %mul3A_36 = arith.constant 4 : i32
    %mul3A_37 = arith.muli %add3A, %mul3A_36 : i32
    %add3A_38 = arith.constant 0 : i32
    %add3A_39 = arith.addi %mul3A_37, %add3A_38 : i32
    %mul3A_40 = arith.constant 16 : i32
    %mul3A_41 = arith.muli %add3A_39, %mul3A_40 : i32
    %dma_start3A_42 = arith.constant 0 : i32
    %dma_start3A_43 = tpu.memref_slice %arg4[%mul3A_41, %dma_start3A_42] : memref<2048x768xf32, #tpu.memory_space<hbm>> -> memref<16x768xf32, #tpu.memory_space<hbm>>
    %dma_start3A_44 = arith.constant 0 : i32
    %dma_start3A_45 = tpu.memref_slice %arg4[%mul3A_41, %dma_start3A_44] : memref<2048x768xf32, #tpu.memory_space<hbm>> -> memref<16x768xf32, #tpu.memory_space<hbm>>
    tpu.enqueue_dma source(%arg6 : memref<16x768xf32, #tpu.memory_space<vmem>>) target(%dma_start3A_45 : memref<16x768xf32, #tpu.memory_space<hbm>>) target_semaphore(%arg11 : memref<!tpu.dma_semaphore, #tpu.memory_space<semaphore_mem>>)
    %dma_wait3A_46 = arith.constant 1 : i32
    %dma_wait3A_47 = arith.constant 0 : i32
    %dma_wait3A_48 = tpu.memref_slice %arg5[%dma_wait3A_46, %dma_wait3A_47] : memref<4x16xi32, #tpu.memory_space<vmem>> -> memref<1x16xi32, #tpu.memory_space<vmem>>
    %dma_wait3A_49 = tpu.memref_squeeze %dma_wait3A_48 : memref<1x16xi32, #tpu.memory_space<vmem>> -> memref<16xi32, #tpu.memory_space<vmem>>
    %dma_wait3A_50 = arith.constant 0 : i32
    %dma_wait3A_51 = arith.constant 0 : i32
    %dma_wait3A_52 = tpu.memref_slice %arg2[%dma_wait3A_50, %dma_wait3A_51] : memref<100000x768xf32, #tpu.memory_space<hbm>> -> memref<100000x768xf32, #tpu.memory_space<hbm>>
    tpu.wait_indirect_dma semaphore(%arg10 : memref<!tpu.dma_semaphore, #tpu.memory_space<semaphore_mem>>) src(%dma_wait3A_52 : memref<100000x768xf32, #tpu.memory_space<hbm>>) dst(%arg7 : memref<16x768xf32, #tpu.memory_space<vmem>>)
    %mul3A_53 = arith.constant 4 : i32
    %mul3A_54 = arith.muli %add3A, %mul3A_53 : i32
    %add3A_55 = arith.constant 1 : i32
    %add3A_56 = arith.addi %mul3A_54, %add3A_55 : i32
    %mul3A_57 = arith.constant 16 : i32
    %mul3A_58 = arith.muli %add3A_56, %mul3A_57 : i32
    %dma_start3A_59 = arith.constant 0 : i32
    %dma_start3A_60 = tpu.memref_slice %arg4[%mul3A_58, %dma_start3A_59] : memref<2048x768xf32, #tpu.memory_space<hbm>> -> memref<16x768xf32, #tpu.memory_space<hbm>>
    %dma_start3A_61 = arith.constant 0 : i32
    %dma_start3A_62 = tpu.memref_slice %arg4[%mul3A_58, %dma_start3A_61] : memref<2048x768xf32, #tpu.memory_space<hbm>> -> memref<16x768xf32, #tpu.memory_space<hbm>>
    tpu.enqueue_dma source(%arg7 : memref<16x768xf32, #tpu.memory_space<vmem>>) target(%dma_start3A_62 : memref<16x768xf32, #tpu.memory_space<hbm>>) target_semaphore(%arg11 : memref<!tpu.dma_semaphore, #tpu.memory_space<semaphore_mem>>)
    %dma_wait3A_63 = arith.constant 2 : i32
    %dma_wait3A_64 = arith.constant 0 : i32
    %dma_wait3A_65 = tpu.memref_slice %arg5[%dma_wait3A_63, %dma_wait3A_64] : memref<4x16xi32, #tpu.memory_space<vmem>> -> memref<1x16xi32, #tpu.memory_space<vmem>>
    %dma_wait3A_66 = tpu.memref_squeeze %dma_wait3A_65 : memref<1x16xi32, #tpu.memory_space<vmem>> -> memref<16xi32, #tpu.memory_space<vmem>>
    %dma_wait3A_67 = arith.constant 0 : i32
    %dma_wait3A_68 = arith.constant 0 : i32
    %dma_wait3A_69 = tpu.memref_slice %arg2[%dma_wait3A_67, %dma_wait3A_68] : memref<100000x768xf32, #tpu.memory_space<hbm>> -> memref<100000x768xf32, #tpu.memory_space<hbm>>
    tpu.wait_indirect_dma semaphore(%arg10 : memref<!tpu.dma_semaphore, #tpu.memory_space<semaphore_mem>>) src(%dma_wait3A_69 : memref<100000x768xf32, #tpu.memory_space<hbm>>) dst(%arg8 : memref<16x768xf32, #tpu.memory_space<vmem>>)
    %mul3A_70 = arith.constant 4 : i32
    %mul3A_71 = arith.muli %add3A, %mul3A_70 : i32
    %add3A_72 = arith.constant 2 : i32
    %add3A_73 = arith.addi %mul3A_71, %add3A_72 : i32
    %mul3A_74 = arith.constant 16 : i32
    %mul3A_75 = arith.muli %add3A_73, %mul3A_74 : i32
    %dma_start3A_76 = arith.constant 0 : i32
    %dma_start3A_77 = tpu.memref_slice %arg4[%mul3A_75, %dma_start3A_76] : memref<2048x768xf32, #tpu.memory_space<hbm>> -> memref<16x768xf32, #tpu.memory_space<hbm>>
    %dma_start3A_78 = arith.constant 0 : i32
    %dma_start3A_79 = tpu.memref_slice %arg4[%mul3A_75, %dma_start3A_78] : memref<2048x768xf32, #tpu.memory_space<hbm>> -> memref<16x768xf32, #tpu.memory_space<hbm>>
    tpu.enqueue_dma source(%arg8 : memref<16x768xf32, #tpu.memory_space<vmem>>) target(%dma_start3A_79 : memref<16x768xf32, #tpu.memory_space<hbm>>) target_semaphore(%arg11 : memref<!tpu.dma_semaphore, #tpu.memory_space<semaphore_mem>>)
    %dma_wait3A_80 = arith.constant 3 : i32
    %dma_wait3A_81 = arith.constant 0 : i32
    %dma_wait3A_82 = tpu.memref_slice %arg5[%dma_wait3A_80, %dma_wait3A_81] : memref<4x16xi32, #tpu.memory_space<vmem>> -> memref<1x16xi32, #tpu.memory_space<vmem>>
    %dma_wait3A_83 = tpu.memref_squeeze %dma_wait3A_82 : memref<1x16xi32, #tpu.memory_space<vmem>> -> memref<16xi32, #tpu.memory_space<vmem>>
    %dma_wait3A_84 = arith.constant 0 : i32
    %dma_wait3A_85 = arith.constant 0 : i32
    %dma_wait3A_86 = tpu.memref_slice %arg2[%dma_wait3A_84, %dma_wait3A_85] : memref<100000x768xf32, #tpu.memory_space<hbm>> -> memref<100000x768xf32, #tpu.memory_space<hbm>>
    tpu.wait_indirect_dma semaphore(%arg10 : memref<!tpu.dma_semaphore, #tpu.memory_space<semaphore_mem>>) src(%dma_wait3A_86 : memref<100000x768xf32, #tpu.memory_space<hbm>>) dst(%arg9 : memref<16x768xf32, #tpu.memory_space<vmem>>)
    %mul3A_87 = arith.constant 4 : i32
    %mul3A_88 = arith.muli %add3A, %mul3A_87 : i32
    %add3A_89 = arith.constant 3 : i32
    %add3A_90 = arith.addi %mul3A_88, %add3A_89 : i32
    %mul3A_91 = arith.constant 16 : i32
    %mul3A_92 = arith.muli %add3A_90, %mul3A_91 : i32
    %dma_start3A_93 = arith.constant 0 : i32
    %dma_start3A_94 = tpu.memref_slice %arg4[%mul3A_92, %dma_start3A_93] : memref<2048x768xf32, #tpu.memory_space<hbm>> -> memref<16x768xf32, #tpu.memory_space<hbm>>
    %dma_start3A_95 = arith.constant 0 : i32
    %dma_start3A_96 = tpu.memref_slice %arg4[%mul3A_92, %dma_start3A_95] : memref<2048x768xf32, #tpu.memory_space<hbm>> -> memref<16x768xf32, #tpu.memory_space<hbm>>
    tpu.enqueue_dma source(%arg9 : memref<16x768xf32, #tpu.memory_space<vmem>>) target(%dma_start3A_96 : memref<16x768xf32, #tpu.memory_space<hbm>>) target_semaphore(%arg11 : memref<!tpu.dma_semaphore, #tpu.memory_space<semaphore_mem>>)
    %dma_wait3A_97 = arith.constant 0 : i32
    %dma_wait3A_98 = tpu.memref_slice %arg4[%mul3A_41, %dma_wait3A_97] : memref<2048x768xf32, #tpu.memory_space<hbm>> -> memref<16x768xf32, #tpu.memory_space<hbm>>
    %dma_wait3A_99 = arith.constant 0 : i32
    %dma_wait3A_100 = tpu.memref_slice %arg4[%mul3A_41, %dma_wait3A_99] : memref<2048x768xf32, #tpu.memory_space<hbm>> -> memref<16x768xf32, #tpu.memory_space<hbm>>
    tpu.wait_dma2 semaphore(%arg11 : memref<!tpu.dma_semaphore, #tpu.memory_space<semaphore_mem>>) src(%arg6 : memref<16x768xf32, #tpu.memory_space<vmem>>) dst(%dma_wait3A_100 : memref<16x768xf32, #tpu.memory_space<hbm>>)
    %dma_wait3A_101 = arith.constant 0 : i32
    %dma_wait3A_102 = tpu.memref_slice %arg4[%mul3A_58, %dma_wait3A_101] : memref<2048x768xf32, #tpu.memory_space<hbm>> -> memref<16x768xf32, #tpu.memory_space<hbm>>
    %dma_wait3A_103 = arith.constant 0 : i32
    %dma_wait3A_104 = tpu.memref_slice %arg4[%mul3A_58, %dma_wait3A_103] : memref<2048x768xf32, #tpu.memory_space<hbm>> -> memref<16x768xf32, #tpu.memory_space<hbm>>
    tpu.wait_dma2 semaphore(%arg11 : memref<!tpu.dma_semaphore, #tpu.memory_space<semaphore_mem>>) src(%arg7 : memref<16x768xf32, #tpu.memory_space<vmem>>) dst(%dma_wait3A_104 : memref<16x768xf32, #tpu.memory_space<hbm>>)
    %dma_wait3A_105 = arith.constant 0 : i32
    %dma_wait3A_106 = tpu.memref_slice %arg4[%mul3A_75, %dma_wait3A_105] : memref<2048x768xf32, #tpu.memory_space<hbm>> -> memref<16x768xf32, #tpu.memory_space<hbm>>
    %dma_wait3A_107 = arith.constant 0 : i32
    %dma_wait3A_108 = tpu.memref_slice %arg4[%mul3A_75, %dma_wait3A_107] : memref<2048x768xf32, #tpu.memory_space<hbm>> -> memref<16x768xf32, #tpu.memory_space<hbm>>
    tpu.wait_dma2 semaphore(%arg11 : memref<!tpu.dma_semaphore, #tpu.memory_space<semaphore_mem>>) src(%arg8 : memref<16x768xf32, #tpu.memory_space<vmem>>) dst(%dma_wait3A_108 : memref<16x768xf32, #tpu.memory_space<hbm>>)
    %dma_wait3A_109 = arith.constant 0 : i32
    %dma_wait3A_110 = tpu.memref_slice %arg4[%mul3A_92, %dma_wait3A_109] : memref<2048x768xf32, #tpu.memory_space<hbm>> -> memref<16x768xf32, #tpu.memory_space<hbm>>
    %dma_wait3A_111 = arith.constant 0 : i32
    %dma_wait3A_112 = tpu.memref_slice %arg4[%mul3A_92, %dma_wait3A_111] : memref<2048x768xf32, #tpu.memory_space<hbm>> -> memref<16x768xf32, #tpu.memory_space<hbm>>
    tpu.wait_dma2 semaphore(%arg11 : memref<!tpu.dma_semaphore, #tpu.memory_space<semaphore_mem>>) src(%arg9 : memref<16x768xf32, #tpu.memory_space<vmem>>) dst(%dma_wait3A_112 : memref<16x768xf32, #tpu.memory_space<hbm>>)
    return
  }
}

#map = affine_map<(d0, d1) -> (0, 0)>
module attributes {stable_mosaic.version = 14 : i64} {
  func.func @k(%arg0: i32, %arg1: i32, %arg2: memref<100000x768xf32, #tpu.memory_space<hbm>>, %arg3: memref<128x16xi32, #tpu.memory_space<hbm>>, %arg4: memref<2048x768xf32, #tpu.memory_space<hbm>>, %arg5: memref<4x16xi32, #tpu.memory_space<vmem>>, %arg6: memref<16x768xf32, #tpu.memory_space<vmem>>, %arg7: memref<16x768xf32, #tpu.memory_space<vmem>>, %arg8: memref<16x768xf32, #tpu.memory_space<vmem>>, %arg9: memref<16x768xf32, #tpu.memory_space<vmem>>, %arg10: memref<!tpu.dma_semaphore, #tpu.memory_space<semaphore_mem>>, %arg11: memref<!tpu.dma_semaphore, #tpu.memory_space<semaphore_mem>>) attributes {dimension_semantics = [#tpu.dimension_semantics<core_parallel>, #tpu.dimension_semantics<subcore_parallel>], iteration_bounds = array<i64: 2, 16>, scalar_prefetch = 0 : i64, scratch_operands = 7 : i64, tpu.core_type = #tpu.core_type<sc_vector_subcore>, window_params = [{transform_indices = #map}, {transform_indices = #map}, {transform_indices = #map}]} {
    %mul3A = arith.constant 2 : i32
    %mul3A_0 = arith.muli %arg1, %mul3A : i32
    %add3A = arith.addi %mul3A_0, %arg0 : i32
    %mul3A_1 = arith.constant 4 : i32
    %mul3A_2 = arith.muli %add3A, %mul3A_1 : i32
    "tpu.region"() ({
      %run_scoped3A = tpu.sem_alloc : memref<!tpu.dma_semaphore, #tpu.memory_space<semaphore_mem>>
      %dma_start3A_113 = arith.constant 0 : i32
      %dma_start3A_114 = tpu.memref_slice %arg3[%mul3A_2, %dma_start3A_113] : memref<128x16xi32, #tpu.memory_space<hbm>> -> memref<4x16xi32, #tpu.memory_space<hbm>>
      %dma_start3A_115 = arith.constant 0 : i32
      %dma_start3A_116 = tpu.memref_slice %arg3[%mul3A_2, %dma_start3A_115] : memref<128x16xi32, #tpu.memory_space<hbm>> -> memref<4x16xi32, #tpu.memory_space<hbm>>
      tpu.enqueue_dma source(%dma_start3A_116 : memref<4x16xi32, #tpu.memory_space<hbm>>) target(%arg5 : memref<4x16xi32, #tpu.memory_space<vmem>>) target_semaphore(%run_scoped3A : memref<!tpu.dma_semaphore, #tpu.memory_space<semaphore_mem>>)
      %dma_wait3A_117 = arith.constant 0 : i32
      %dma_wait3A_118 = tpu.memref_slice %arg3[%mul3A_2, %dma_wait3A_117] : memref<128x16xi32, #tpu.memory_space<hbm>> -> memref<4x16xi32, #tpu.memory_space<hbm>>
      %dma_wait3A_119 = arith.constant 0 : i32
      %dma_wait3A_120 = tpu.memref_slice %arg3[%mul3A_2, %dma_wait3A_119] : memref<128x16xi32, #tpu.memory_space<hbm>> -> memref<4x16xi32, #tpu.memory_space<hbm>>
      tpu.wait_dma2 semaphore(%run_scoped3A : memref<!tpu.dma_semaphore, #tpu.memory_space<semaphore_mem>>) src(%dma_wait3A_120 : memref<4x16xi32, #tpu.memory_space<hbm>>) dst(%arg5 : memref<4x16xi32, #tpu.memory_space<vmem>>)
      tpu.yield
    }) : () -> ()
    %dma_start3A = arith.constant 0 : i32
    %dma_start3A_3 = arith.constant 0 : i32
    %dma_start3A_4 = tpu.memref_slice %arg5[%dma_start3A, %dma_start3A_3] : memref<4x16xi32, #tpu.memory_space<vmem>> -> memref<1x16xi32, #tpu.memory_space<vmem>>
    %dma_start3A_5 = tpu.memref_squeeze %dma_start3A_4 : memref<1x16xi32, #tpu.memory_space<vmem>> -> memref<16xi32, #tpu.memory_space<vmem>>
    %dma_start3A_6 = arith.constant 0 : i32
    %dma_start3A_7 = arith.constant 0 : i32
    %dma_start3A_8 = tpu.memref_slice %arg2[%dma_start3A_6, %dma_start3A_7] : memref<100000x768xf32, #tpu.memory_space<hbm>> -> memref<100000x768xf32, #tpu.memory_space<hbm>>
    tpu.enqueue_indirect_dma source(%dma_start3A_8 : memref<100000x768xf32, #tpu.memory_space<hbm>>) target(%arg6 : memref<16x768xf32, #tpu.memory_space<vmem>>) offsets(%dma_start3A_5 : memref<16xi32, #tpu.memory_space<vmem>>) semaphore(%arg10 : memref<!tpu.dma_semaphore, #tpu.memory_space<semaphore_mem>>)
    %dma_start3A_9 = arith.constant 1 : i32
    %dma_start3A_10 = arith.constant 0 : i32
    %dma_start3A_11 = tpu.memref_slice %arg5[%dma_start3A_9, %dma_start3A_10] : memref<4x16xi32, #tpu.memory_space<vmem>> -> memref<1x16xi32, #tpu.memory_space<vmem>>
    %dma_start3A_12 = tpu.memref_squeeze %dma_start3A_11 : memref<1x16xi32, #tpu.memory_space<vmem>> -> memref<16xi32, #tpu.memory_space<vmem>>
    %dma_start3A_13 = arith.constant 0 : i32
    %dma_start3A_14 = arith.constant 0 : i32
    %dma_start3A_15 = tpu.memref_slice %arg2[%dma_start3A_13, %dma_start3A_14] : memref<100000x768xf32, #tpu.memory_space<hbm>> -> memref<100000x768xf32, #tpu.memory_space<hbm>>
    tpu.enqueue_indirect_dma source(%dma_start3A_15 : memref<100000x768xf32, #tpu.memory_space<hbm>>) target(%arg7 : memref<16x768xf32, #tpu.memory_space<vmem>>) offsets(%dma_start3A_12 : memref<16xi32, #tpu.memory_space<vmem>>) semaphore(%arg10 : memref<!tpu.dma_semaphore, #tpu.memory_space<semaphore_mem>>)
    %dma_start3A_16 = arith.constant 2 : i32
    %dma_start3A_17 = arith.constant 0 : i32
    %dma_start3A_18 = tpu.memref_slice %arg5[%dma_start3A_16, %dma_start3A_17] : memref<4x16xi32, #tpu.memory_space<vmem>> -> memref<1x16xi32, #tpu.memory_space<vmem>>
    %dma_start3A_19 = tpu.memref_squeeze %dma_start3A_18 : memref<1x16xi32, #tpu.memory_space<vmem>> -> memref<16xi32, #tpu.memory_space<vmem>>
    %dma_start3A_20 = arith.constant 0 : i32
    %dma_start3A_21 = arith.constant 0 : i32
    %dma_start3A_22 = tpu.memref_slice %arg2[%dma_start3A_20, %dma_start3A_21] : memref<100000x768xf32, #tpu.memory_space<hbm>> -> memref<100000x768xf32, #tpu.memory_space<hbm>>
    tpu.enqueue_indirect_dma source(%dma_start3A_22 : memref<100000x768xf32, #tpu.memory_space<hbm>>) target(%arg8 : memref<16x768xf32, #tpu.memory_space<vmem>>) offsets(%dma_start3A_19 : memref<16xi32, #tpu.memory_space<vmem>>) semaphore(%arg10 : memref<!tpu.dma_semaphore, #tpu.memory_space<semaphore_mem>>)
    %dma_start3A_23 = arith.constant 3 : i32
    %dma_start3A_24 = arith.constant 0 : i32
    %dma_start3A_25 = tpu.memref_slice %arg5[%dma_start3A_23, %dma_start3A_24] : memref<4x16xi32, #tpu.memory_space<vmem>> -> memref<1x16xi32, #tpu.memory_space<vmem>>
    %dma_start3A_26 = tpu.memref_squeeze %dma_start3A_25 : memref<1x16xi32, #tpu.memory_space<vmem>> -> memref<16xi32, #tpu.memory_space<vmem>>
    %dma_start3A_27 = arith.constant 0 : i32
    %dma_start3A_28 = arith.constant 0 : i32
    %dma_start3A_29 = tpu.memref_slice %arg2[%dma_start3A_27, %dma_start3A_28] : memref<100000x768xf32, #tpu.memory_space<hbm>> -> memref<100000x768xf32, #tpu.memory_space<hbm>>
    tpu.enqueue_indirect_dma source(%dma_start3A_29 : memref<100000x768xf32, #tpu.memory_space<hbm>>) target(%arg9 : memref<16x768xf32, #tpu.memory_space<vmem>>) offsets(%dma_start3A_26 : memref<16xi32, #tpu.memory_space<vmem>>) semaphore(%arg10 : memref<!tpu.dma_semaphore, #tpu.memory_space<semaphore_mem>>)
    %dma_wait3A = arith.constant 0 : i32
    %dma_wait3A_30 = arith.constant 0 : i32
    %dma_wait3A_31 = tpu.memref_slice %arg5[%dma_wait3A, %dma_wait3A_30] : memref<4x16xi32, #tpu.memory_space<vmem>> -> memref<1x16xi32, #tpu.memory_space<vmem>>
    %dma_wait3A_32 = tpu.memref_squeeze %dma_wait3A_31 : memref<1x16xi32, #tpu.memory_space<vmem>> -> memref<16xi32, #tpu.memory_space<vmem>>
    %dma_wait3A_33 = arith.constant 0 : i32
    %dma_wait3A_34 = arith.constant 0 : i32
    %dma_wait3A_35 = tpu.memref_slice %arg2[%dma_wait3A_33, %dma_wait3A_34] : memref<100000x768xf32, #tpu.memory_space<hbm>> -> memref<100000x768xf32, #tpu.memory_space<hbm>>
    tpu.wait_indirect_dma semaphore(%arg10 : memref<!tpu.dma_semaphore, #tpu.memory_space<semaphore_mem>>) src(%dma_wait3A_35 : memref<100000x768xf32, #tpu.memory_space<hbm>>) dst(%arg6 : memref<16x768xf32, #tpu.memory_space<vmem>>)
    %mul3A_36 = arith.constant 4 : i32
    %mul3A_37 = arith.muli %add3A, %mul3A_36 : i32
    %add3A_38 = arith.constant 0 : i32
    %add3A_39 = arith.addi %mul3A_37, %add3A_38 : i32
    %mul3A_40 = arith.constant 16 : i32
    %mul3A_41 = arith.muli %add3A_39, %mul3A_40 : i32
    %dma_start3A_42 = arith.constant 0 : i32
    %dma_start3A_43 = tpu.memref_slice %arg4[%mul3A_41, %dma_start3A_42] : memref<2048x768xf32, #tpu.memory_space<hbm>> -> memref<16x768xf32, #tpu.memory_space<hbm>>
    %dma_start3A_44 = arith.constant 0 : i32
    %dma_start3A_45 = tpu.memref_slice %arg4[%mul3A_41, %dma_start3A_44] : memref<2048x768xf32, #tpu.memory_space<hbm>> -> memref<16x768xf32, #tpu.memory_space<hbm>>
    tpu.enqueue_dma source(%arg6 : memref<16x768xf32, #tpu.memory_space<vmem>>) target(%dma_start3A_45 : memref<16x768xf32, #tpu.memory_space<hbm>>) target_semaphore(%arg11 : memref<!tpu.dma_semaphore, #tpu.memory_space<semaphore_mem>>)
    %dma_wait3A_46 = arith.constant 1 : i32
    %dma_wait3A_47 = arith.constant 0 : i32
    %dma_wait3A_48 = tpu.memref_slice %arg5[%dma_wait3A_46, %dma_wait3A_47] : memref<4x16xi32, #tpu.memory_space<vmem>> -> memref<1x16xi32, #tpu.memory_space<vmem>>
    %dma_wait3A_49 = tpu.memref_squeeze %dma_wait3A_48 : memref<1x16xi32, #tpu.memory_space<vmem>> -> memref<16xi32, #tpu.memory_space<vmem>>
    %dma_wait3A_50 = arith.constant 0 : i32
    %dma_wait3A_51 = arith.constant 0 : i32
    %dma_wait3A_52 = tpu.memref_slice %arg2[%dma_wait3A_50, %dma_wait3A_51] : memref<100000x768xf32, #tpu.memory_space<hbm>> -> memref<100000x768xf32, #tpu.memory_space<hbm>>
    tpu.wait_indirect_dma semaphore(%arg10 : memref<!tpu.dma_semaphore, #tpu.memory_space<semaphore_mem>>) src(%dma_wait3A_52 : memref<100000x768xf32, #tpu.memory_space<hbm>>) dst(%arg7 : memref<16x768xf32, #tpu.memory_space<vmem>>)
    %mul3A_53 = arith.constant 4 : i32
    %mul3A_54 = arith.muli %add3A, %mul3A_53 : i32
    %add3A_55 = arith.constant 1 : i32
    %add3A_56 = arith.addi %mul3A_54, %add3A_55 : i32
    %mul3A_57 = arith.constant 16 : i32
    %mul3A_58 = arith.muli %add3A_56, %mul3A_57 : i32
    %dma_start3A_59 = arith.constant 0 : i32
    %dma_start3A_60 = tpu.memref_slice %arg4[%mul3A_58, %dma_start3A_59] : memref<2048x768xf32, #tpu.memory_space<hbm>> -> memref<16x768xf32, #tpu.memory_space<hbm>>
    %dma_start3A_61 = arith.constant 0 : i32
    %dma_start3A_62 = tpu.memref_slice %arg4[%mul3A_58, %dma_start3A_61] : memref<2048x768xf32, #tpu.memory_space<hbm>> -> memref<16x768xf32, #tpu.memory_space<hbm>>
    tpu.enqueue_dma source(%arg7 : memref<16x768xf32, #tpu.memory_space<vmem>>) target(%dma_start3A_62 : memref<16x768xf32, #tpu.memory_space<hbm>>) target_semaphore(%arg11 : memref<!tpu.dma_semaphore, #tpu.memory_space<semaphore_mem>>)
    %dma_wait3A_63 = arith.constant 2 : i32
    %dma_wait3A_64 = arith.constant 0 : i32
    %dma_wait3A_65 = tpu.memref_slice %arg5[%dma_wait3A_63, %dma_wait3A_64] : memref<4x16xi32, #tpu.memory_space<vmem>> -> memref<1x16xi32, #tpu.memory_space<vmem>>
    %dma_wait3A_66 = tpu.memref_squeeze %dma_wait3A_65 : memref<1x16xi32, #tpu.memory_space<vmem>> -> memref<16xi32, #tpu.memory_space<vmem>>
    %dma_wait3A_67 = arith.constant 0 : i32
    %dma_wait3A_68 = arith.constant 0 : i32
    %dma_wait3A_69 = tpu.memref_slice %arg2[%dma_wait3A_67, %dma_wait3A_68] : memref<100000x768xf32, #tpu.memory_space<hbm>> -> memref<100000x768xf32, #tpu.memory_space<hbm>>
    tpu.wait_indirect_dma semaphore(%arg10 : memref<!tpu.dma_semaphore, #tpu.memory_space<semaphore_mem>>) src(%dma_wait3A_69 : memref<100000x768xf32, #tpu.memory_space<hbm>>) dst(%arg8 : memref<16x768xf32, #tpu.memory_space<vmem>>)
    %mul3A_70 = arith.constant 4 : i32
    %mul3A_71 = arith.muli %add3A, %mul3A_70 : i32
    %add3A_72 = arith.constant 2 : i32
    %add3A_73 = arith.addi %mul3A_71, %add3A_72 : i32
    %mul3A_74 = arith.constant 16 : i32
    %mul3A_75 = arith.muli %add3A_73, %mul3A_74 : i32
    %dma_start3A_76 = arith.constant 0 : i32
    %dma_start3A_77 = tpu.memref_slice %arg4[%mul3A_75, %dma_start3A_76] : memref<2048x768xf32, #tpu.memory_space<hbm>> -> memref<16x768xf32, #tpu.memory_space<hbm>>
    %dma_start3A_78 = arith.constant 0 : i32
    %dma_start3A_79 = tpu.memref_slice %arg4[%mul3A_75, %dma_start3A_78] : memref<2048x768xf32, #tpu.memory_space<hbm>> -> memref<16x768xf32, #tpu.memory_space<hbm>>
    tpu.enqueue_dma source(%arg8 : memref<16x768xf32, #tpu.memory_space<vmem>>) target(%dma_start3A_79 : memref<16x768xf32, #tpu.memory_space<hbm>>) target_semaphore(%arg11 : memref<!tpu.dma_semaphore, #tpu.memory_space<semaphore_mem>>)
    %dma_wait3A_80 = arith.constant 3 : i32
    %dma_wait3A_81 = arith.constant 0 : i32
    %dma_wait3A_82 = tpu.memref_slice %arg5[%dma_wait3A_80, %dma_wait3A_81] : memref<4x16xi32, #tpu.memory_space<vmem>> -> memref<1x16xi32, #tpu.memory_space<vmem>>
    %dma_wait3A_83 = tpu.memref_squeeze %dma_wait3A_82 : memref<1x16xi32, #tpu.memory_space<vmem>> -> memref<16xi32, #tpu.memory_space<vmem>>
    %dma_wait3A_84 = arith.constant 0 : i32
    %dma_wait3A_85 = arith.constant 0 : i32
    %dma_wait3A_86 = tpu.memref_slice %arg2[%dma_wait3A_84, %dma_wait3A_85] : memref<100000x768xf32, #tpu.memory_space<hbm>> -> memref<100000x768xf32, #tpu.memory_space<hbm>>
    tpu.wait_indirect_dma semaphore(%arg10 : memref<!tpu.dma_semaphore, #tpu.memory_space<semaphore_mem>>) src(%dma_wait3A_86 : memref<100000x768xf32, #tpu.memory_space<hbm>>) dst(%arg9 : memref<16x768xf32, #tpu.memory_space<vmem>>)
    %mul3A_87 = arith.constant 4 : i32
    %mul3A_88 = arith.muli %add3A, %mul3A_87 : i32
    %add3A_89 = arith.constant 3 : i32
    %add3A_90 = arith.addi %mul3A_88, %add3A_89 : i32
    %mul3A_91 = arith.constant 16 : i32
    %mul3A_92 = arith.muli %add3A_90, %mul3A_91 : i32
    %dma_start3A_93 = arith.constant 0 : i32
    %dma_start3A_94 = tpu.memref_slice %arg4[%mul3A_92, %dma_start3A_93] : memref<2048x768xf32, #tpu.memory_space<hbm>> -> memref<16x768xf32, #tpu.memory_space<hbm>>
    %dma_start3A_95 = arith.constant 0 : i32
    %dma_start3A_96 = tpu.memref_slice %arg4[%mul3A_92, %dma_start3A_95] : memref<2048x768xf32, #tpu.memory_space<hbm>> -> memref<16x768xf32, #tpu.memory_space<hbm>>
    tpu.enqueue_dma source(%arg9 : memref<16x768xf32, #tpu.memory_space<vmem>>) target(%dma_start3A_96 : memref<16x768xf32, #tpu.memory_space<hbm>>) target_semaphore(%arg11 : memref<!tpu.dma_semaphore, #tpu.memory_space<semaphore_mem>>)
    %dma_wait3A_97 = arith.constant 0 : i32
    %dma_wait3A_98 = tpu.memref_slice %arg4[%mul3A_41, %dma_wait3A_97] : memref<2048x768xf32, #tpu.memory_space<hbm>> -> memref<16x768xf32, #tpu.memory_space<hbm>>
    %dma_wait3A_99 = arith.constant 0 : i32
    %dma_wait3A_100 = tpu.memref_slice %arg4[%mul3A_41, %dma_wait3A_99] : memref<2048x768xf32, #tpu.memory_space<hbm>> -> memref<16x768xf32, #tpu.memory_space<hbm>>
    tpu.wait_dma2 semaphore(%arg11 : memref<!tpu.dma_semaphore, #tpu.memory_space<semaphore_mem>>) src(%arg6 : memref<16x768xf32, #tpu.memory_space<vmem>>) dst(%dma_wait3A_100 : memref<16x768xf32, #tpu.memory_space<hbm>>)
    %dma_wait3A_101 = arith.constant 0 : i32
    %dma_wait3A_102 = tpu.memref_slice %arg4[%mul3A_58, %dma_wait3A_101] : memref<2048x768xf32, #tpu.memory_space<hbm>> -> memref<16x768xf32, #tpu.memory_space<hbm>>
    %dma_wait3A_103 = arith.constant 0 : i32
    %dma_wait3A_104 = tpu.memref_slice %arg4[%mul3A_58, %dma_wait3A_103] : memref<2048x768xf32, #tpu.memory_space<hbm>> -> memref<16x768xf32, #tpu.memory_space<hbm>>
    tpu.wait_dma2 semaphore(%arg11 : memref<!tpu.dma_semaphore, #tpu.memory_space<semaphore_mem>>) src(%arg7 : memref<16x768xf32, #tpu.memory_space<vmem>>) dst(%dma_wait3A_104 : memref<16x768xf32, #tpu.memory_space<hbm>>)
    %dma_wait3A_105 = arith.constant 0 : i32
    %dma_wait3A_106 = tpu.memref_slice %arg4[%mul3A_75, %dma_wait3A_105] : memref<2048x768xf32, #tpu.memory_space<hbm>> -> memref<16x768xf32, #tpu.memory_space<hbm>>
    %dma_wait3A_107 = arith.constant 0 : i32
    %dma_wait3A_108 = tpu.memref_slice %arg4[%mul3A_75, %dma_wait3A_107] : memref<2048x768xf32, #tpu.memory_space<hbm>> -> memref<16x768xf32, #tpu.memory_space<hbm>>
    tpu.wait_dma2 semaphore(%arg11 : memref<!tpu.dma_semaphore, #tpu.memory_space<semaphore_mem>>) src(%arg8 : memref<16x768xf32, #tpu.memory_space<vmem>>) dst(%dma_wait3A_108 : memref<16x768xf32, #tpu.memory_space<hbm>>)
    %dma_wait3A_109 = arith.constant 0 : i32
    %dma_wait3A_110 = tpu.memref_slice %arg4[%mul3A_92, %dma_wait3A_109] : memref<2048x768xf32, #tpu.memory_space<hbm>> -> memref<16x768xf32, #tpu.memory_space<hbm>>
    %dma_wait3A_111 = arith.constant 0 : i32
    %dma_wait3A_112 = tpu.memref_slice %arg4[%mul3A_92, %dma_wait3A_111] : memref<2048x768xf32, #tpu.memory_space<hbm>> -> memref<16x768xf32, #tpu.memory_space<hbm>>
    tpu.wait_dma2 semaphore(%arg11 : memref<!tpu.dma_semaphore, #tpu.memory_space<semaphore_mem>>) src(%arg9 : memref<16x768xf32, #tpu.memory_space<vmem>>) dst(%dma_wait3A_112 : memref<16x768xf32, #tpu.memory_space<hbm>>)
    return
  }
}

module attributes {stable_mosaic.version = 14 : i64} {
  func.func @_ln_body(%arg0: i32, %arg1: memref<1024x768xf32, #tpu.memory_space<vmem>>, %arg2: memref<1024x768xf32, #tpu.memory_space<vmem>>, %arg3: memref<1024x1xf32, #tpu.memory_space<vmem>>, %arg4: memref<2x768xf32, #tpu.memory_space<vmem>>, %arg5: memref<1x768xf32, #tpu.memory_space<vmem>>, %arg6: memref<1x768xf32, #tpu.memory_space<vmem>>, %arg7: memref<1024x768xf32, #tpu.memory_space<vmem>>) attributes {dimension_semantics = [#tpu.dimension_semantics<arbitrary>], iteration_bounds = array<i64: 2>, scalar_prefetch = 0 : i64, scratch_operands = 0 : i64, tpu.core_type = #tpu.core_type<tc>, window_params = [{transform_indices = @transform_0, window_bounds = array<i64: 1024, 768>}, {transform_indices = @transform_1, window_bounds = array<i64: 1024, 768>}, {transform_indices = @transform_2, window_bounds = array<i64: 1024, 1>}, {pipeline_mode = #tpu.pipeline_mode<synchronous>, transform_indices = @transform_3, window_bounds = array<i64: 2, 768>}, {pipeline_mode = #tpu.pipeline_mode<synchronous>, transform_indices = @transform_4, window_bounds = array<i64: 1, 768>}, {pipeline_mode = #tpu.pipeline_mode<synchronous>, transform_indices = @transform_5, window_bounds = array<i64: 1, 768>}, {transform_indices = @transform_6, window_bounds = array<i64: 1024, 768>}]} {
    %get3A = arith.constant 0 : index
    %get3A_0 = arith.constant 0 : index
    %get3A_1 = vector.load %arg3[%get3A, %get3A_0] : memref<1024x1xf32, #tpu.memory_space<vmem>>, vector<1024x1xf32>
    %get3A_2 = arith.constant 0 : index
    %get3A_3 = arith.constant 0 : index
    %get3A_4 = vector.load %arg4[%get3A_2, %get3A_3] : memref<2x768xf32, #tpu.memory_space<vmem>>, vector<1x768xf32>
    %get3A_5 = arith.constant 1 : index
    %get3A_6 = arith.constant 0 : index
    %get3A_7 = vector.load %arg4[%get3A_5, %get3A_6] : memref<2x768xf32, #tpu.memory_space<vmem>>, vector<1x768xf32>
    %get3A_8 = arith.constant 0 : index
    %get3A_9 = arith.constant 0 : index
    %get3A_10 = vector.load %arg1[%get3A_8, %get3A_9] : memref<1024x768xf32, #tpu.memory_space<vmem>>, vector<1024x768xf32>
    %get3A_11 = arith.constant 0 : index
    %get3A_12 = arith.constant 0 : index
    %get3A_13 = vector.load %arg2[%get3A_11, %get3A_12] : memref<1024x768xf32, #tpu.memory_space<vmem>>, vector<1024x768xf32>
    %add3A = arith.addf %get3A_10, %get3A_13 : vector<1024x768xf32>
    %add3A_14 = vector.broadcast %get3A_4 : vector<1x768xf32> to vector<1024x768xf32>
    %add3A_15 = arith.addf %add3A, %add3A_14 : vector<1024x768xf32>
    %sub3A = arith.subf %get3A_7, %get3A_4 : vector<1x768xf32>
    %mul3A = vector.broadcast %get3A_1 : vector<1024x1xf32> to vector<1024x768xf32>
    %mul3A_16 = vector.broadcast %sub3A : vector<1x768xf32> to vector<1024x768xf32>
    %mul3A_17 = arith.mulf %mul3A, %mul3A_16 : vector<1024x768xf32>
    %add3A_18 = arith.addf %add3A_15, %mul3A_17 : vector<1024x768xf32>
    %reduce_sum3A = arith.constant dense<0.000000e+00> : vector<1024xf32>
    %reduce_sum3A_19 = vector.multi_reduction <add>, %add3A_18, %reduce_sum3A [1] : vector<1024x768xf32> to vector<1024xf32>
    %broadcast_in_dim3A = vector.shape_cast %reduce_sum3A_19 : vector<1024xf32> to vector<1024x1xf32>
    %div3A = arith.constant 7.680000e+02 : f32
    %div3A_20 = vector.broadcast %div3A : f32 to vector<1024x1xf32>
    %div3A_21 = arith.divf %broadcast_in_dim3A, %div3A_20 : vector<1024x1xf32>
    %sub3A_22 = vector.broadcast %div3A_21 : vector<1024x1xf32> to vector<1024x768xf32>
    %sub3A_23 = arith.subf %add3A_18, %sub3A_22 : vector<1024x768xf32>
    %mul3A_24 = arith.mulf %sub3A_23, %sub3A_23 : vector<1024x768xf32>
    %reduce_sum3A_25 = arith.constant dense<0.000000e+00> : vector<1024xf32>
    %reduce_sum3A_26 = vector.multi_reduction <add>, %mul3A_24, %reduce_sum3A_25 [1] : vector<1024x768xf32> to vector<1024xf32>
    %broadcast_in_dim3A_27 = vector.shape_cast %reduce_sum3A_26 : vector<1024xf32> to vector<1024x1xf32>
    %div3A_28 = arith.constant 7.680000e+02 : f32
    %div3A_29 = vector.broadcast %div3A_28 : f32 to vector<1024x1xf32>
    %div3A_30 = arith.divf %broadcast_in_dim3A_27, %div3A_29 : vector<1024x1xf32>
    %add3A_31 = arith.constant 9.99999996E-13 : f32
    %add3A_32 = vector.broadcast %add3A_31 : f32 to vector<1024x1xf32>
    %add3A_33 = arith.addf %div3A_30, %add3A_32 : vector<1024x1xf32>
    %rsqrt3A = math.rsqrt %add3A_33 : vector<1024x1xf32>
    %mul3A_34 = vector.broadcast %rsqrt3A : vector<1024x1xf32> to vector<1024x768xf32>
    %mul3A_35 = arith.mulf %sub3A_23, %mul3A_34 : vector<1024x768xf32>
    %get3A_36 = arith.constant 0 : index
    %get3A_37 = arith.constant 0 : index
    %get3A_38 = vector.load %arg5[%get3A_36, %get3A_37] : memref<1x768xf32, #tpu.memory_space<vmem>>, vector<1x768xf32>
    %mul3A_39 = vector.broadcast %get3A_38 : vector<1x768xf32> to vector<1024x768xf32>
    %mul3A_40 = arith.mulf %mul3A_39, %mul3A_35 : vector<1024x768xf32>
    %get3A_41 = arith.constant 0 : index
    %get3A_42 = arith.constant 0 : index
    %get3A_43 = vector.load %arg6[%get3A_41, %get3A_42] : memref<1x768xf32, #tpu.memory_space<vmem>>, vector<1x768xf32>
    %add3A_44 = vector.broadcast %get3A_43 : vector<1x768xf32> to vector<1024x768xf32>
    %add3A_45 = arith.addf %mul3A_40, %add3A_44 : vector<1024x768xf32>
    %swap3A = arith.constant 0 : index
    %swap3A_46 = arith.constant 0 : index
    %swap3A_47 = vector.load %arg7[%swap3A, %swap3A_46] : memref<1024x768xf32, #tpu.memory_space<vmem>>, vector<1024x768xf32>
    tpu.vector_store %arg7[%swap3A, %swap3A_46], %add3A_45 {strides = array<i32>} : memref<1024x768xf32, #tpu.memory_space<vmem>>, vector<1024x768xf32>,
    return
  }
  func.func @transform_0(%arg0: i32) -> (i32, i32) {
    %c0_i32 = arith.constant 0 : i32
    %c0_i32_0 = arith.constant 0 : i32
    return %arg0, %c0_i32 : i32, i32
  }
  func.func @transform_1(%arg0: i32) -> (i32, i32) {
    %jit3A = arith.constant 2 : i32
    %eq3A = arith.constant 0 : i32
    %eq3A_0 = arith.cmpi eq, %jit3A, %eq3A : i32
    %jit3A_1 = arith.constant 1 : i32
    %select_n3A = arith.select %eq3A_0, %jit3A_1, %jit3A : i32
    %rem3A = arith.remsi %arg0, %select_n3A : i32
    %ne3A = arith.constant 0 : i32
    %ne3A_2 = arith.cmpi ne, %rem3A, %ne3A : i32
    %lt3A = arith.constant 0 : i32
    %lt3A_3 = arith.cmpi slt, %rem3A, %lt3A : i32
    %lt3A_4 = arith.constant 0 : i32
    %lt3A_5 = arith.cmpi slt, %select_n3A, %lt3A_4 : i32
    %ne3A_6 = arith.xori %lt3A_3, %lt3A_5 : i1
    %and3A = arith.andi %ne3A_6, %ne3A_2 : i1
    %add3A = arith.addi %rem3A, %select_n3A : i32
    %select_n3A_7 = arith.select %and3A, %add3A, %rem3A : i32
    %c0_i32 = arith.constant 0 : i32
    %c0_i32_8 = arith.constant 0 : i32
    return %select_n3A_7, %c0_i32 : i32, i32
  }
  func.func @transform_2(%arg0: i32) -> (i32, i32) {
    %c0_i32 = arith.constant 0 : i32
    %c0_i32_0 = arith.constant 0 : i32
    return %arg0, %c0_i32 : i32, i32
  }
  func.func @transform_3(%arg0: i32) -> (i32, i32) {
    %c0_i32 = arith.constant 0 : i32
    %c0_i32_0 = arith.constant 0 : i32
    %c0_i32_1 = arith.constant 0 : i32
    return %c0_i32, %c0_i32_0 : i32, i32
  }
  func.func @transform_4(%arg0: i32) -> (i32, i32) {
    %c0_i32 = arith.constant 0 : i32
    %c0_i32_0 = arith.constant 0 : i32
    %c0_i32_1 = arith.constant 0 : i32
    return %c0_i32, %c0_i32_0 : i32, i32
  }
  func.func @transform_5(%arg0: i32) -> (i32, i32) {
    %c0_i32 = arith.constant 0 : i32
    %c0_i32_0 = arith.constant 0 : i32
    %c0_i32_1 = arith.constant 0 : i32
    return %c0_i32, %c0_i32_0 : i32, i32
  }
  func.func @transform_6(%arg0: i32) -> (i32, i32) {
    %add3A = arith.constant 0 : i32
    %add3A_0 = arith.addi %add3A, %arg0 : i32
    %c0_i32 = arith.constant 0 : i32
    %c0_i32_1 = arith.constant 0 : i32
    return %add3A_0, %c0_i32 : i32, i32
  }
}

module attributes {stable_mosaic.version = 14 : i64} {
  func.func @_ln_body_alias(%arg0: i32, %arg1: memref<1024x768xf32, #tpu.memory_space<vmem>>, %arg2: memref<1024x768xf32, #tpu.memory_space<vmem>>, %arg3: memref<1024x1xf32, #tpu.memory_space<vmem>>, %arg4: memref<2x768xf32, #tpu.memory_space<vmem>>, %arg5: memref<1x768xf32, #tpu.memory_space<vmem>>, %arg6: memref<1x768xf32, #tpu.memory_space<vmem>>, %arg7: memref<8192x768xf32, #tpu.memory_space<any>>, %arg8: memref<1024x768xf32, #tpu.memory_space<vmem>>) attributes {dimension_semantics = [#tpu.dimension_semantics<arbitrary>], iteration_bounds = array<i64: 2>, scalar_prefetch = 0 : i64, scratch_operands = 0 : i64, tpu.core_type = #tpu.core_type<tc>, window_params = [{transform_indices = @transform_0, window_bounds = array<i64: 1024, 768>}, {transform_indices = @transform_1, window_bounds = array<i64: 1024, 768>}, {transform_indices = @transform_2, window_bounds = array<i64: 1024, 1>}, {pipeline_mode = #tpu.pipeline_mode<synchronous>, transform_indices = @transform_3, window_bounds = array<i64: 2, 768>}, {pipeline_mode = #tpu.pipeline_mode<synchronous>, transform_indices = @transform_4, window_bounds = array<i64: 1, 768>}, {pipeline_mode = #tpu.pipeline_mode<synchronous>, transform_indices = @transform_5, window_bounds = array<i64: 1, 768>}, {}, {transform_indices = @transform_7, window_bounds = array<i64: 1024, 768>}]} {
    %get3A = arith.constant 0 : index
    %get3A_0 = arith.constant 0 : index
    %get3A_1 = vector.load %arg3[%get3A, %get3A_0] : memref<1024x1xf32, #tpu.memory_space<vmem>>, vector<1024x1xf32>
    %get3A_2 = arith.constant 0 : index
    %get3A_3 = arith.constant 0 : index
    %get3A_4 = vector.load %arg4[%get3A_2, %get3A_3] : memref<2x768xf32, #tpu.memory_space<vmem>>, vector<1x768xf32>
    %get3A_5 = arith.constant 1 : index
    %get3A_6 = arith.constant 0 : index
    %get3A_7 = vector.load %arg4[%get3A_5, %get3A_6] : memref<2x768xf32, #tpu.memory_space<vmem>>, vector<1x768xf32>
    %get3A_8 = arith.constant 0 : index
    %get3A_9 = arith.constant 0 : index
    %get3A_10 = vector.load %arg1[%get3A_8, %get3A_9] : memref<1024x768xf32, #tpu.memory_space<vmem>>, vector<1024x768xf32>
    %get3A_11 = arith.constant 0 : index
    %get3A_12 = arith.constant 0 : index
    %get3A_13 = vector.load %arg2[%get3A_11, %get3A_12] : memref<1024x768xf32, #tpu.memory_space<vmem>>, vector<1024x768xf32>
    %add3A = arith.addf %get3A_10, %get3A_13 : vector<1024x768xf32>
    %add3A_14 = vector.broadcast %get3A_4 : vector<1x768xf32> to vector<1024x768xf32>
    %add3A_15 = arith.addf %add3A, %add3A_14 : vector<1024x768xf32>
    %sub3A = arith.subf %get3A_7, %get3A_4 : vector<1x768xf32>
    %mul3A = vector.broadcast %get3A_1 : vector<1024x1xf32> to vector<1024x768xf32>
    %mul3A_16 = vector.broadcast %sub3A : vector<1x768xf32> to vector<1024x768xf32>
    %mul3A_17 = arith.mulf %mul3A, %mul3A_16 : vector<1024x768xf32>
    %add3A_18 = arith.addf %add3A_15, %mul3A_17 : vector<1024x768xf32>
    %reduce_sum3A = arith.constant dense<0.000000e+00> : vector<1024xf32>
    %reduce_sum3A_19 = vector.multi_reduction <add>, %add3A_18, %reduce_sum3A [1] : vector<1024x768xf32> to vector<1024xf32>
    %broadcast_in_dim3A = vector.shape_cast %reduce_sum3A_19 : vector<1024xf32> to vector<1024x1xf32>
    %div3A = arith.constant 7.680000e+02 : f32
    %div3A_20 = vector.broadcast %div3A : f32 to vector<1024x1xf32>
    %div3A_21 = arith.divf %broadcast_in_dim3A, %div3A_20 : vector<1024x1xf32>
    %sub3A_22 = vector.broadcast %div3A_21 : vector<1024x1xf32> to vector<1024x768xf32>
    %sub3A_23 = arith.subf %add3A_18, %sub3A_22 : vector<1024x768xf32>
    %mul3A_24 = arith.mulf %sub3A_23, %sub3A_23 : vector<1024x768xf32>
    %reduce_sum3A_25 = arith.constant dense<0.000000e+00> : vector<1024xf32>
    %reduce_sum3A_26 = vector.multi_reduction <add>, %mul3A_24, %reduce_sum3A_25 [1] : vector<1024x768xf32> to vector<1024xf32>
    %broadcast_in_dim3A_27 = vector.shape_cast %reduce_sum3A_26 : vector<1024xf32> to vector<1024x1xf32>
    %div3A_28 = arith.constant 7.680000e+02 : f32
    %div3A_29 = vector.broadcast %div3A_28 : f32 to vector<1024x1xf32>
    %div3A_30 = arith.divf %broadcast_in_dim3A_27, %div3A_29 : vector<1024x1xf32>
    %add3A_31 = arith.constant 9.99999996E-13 : f32
    %add3A_32 = vector.broadcast %add3A_31 : f32 to vector<1024x1xf32>
    %add3A_33 = arith.addf %div3A_30, %add3A_32 : vector<1024x1xf32>
    %rsqrt3A = math.rsqrt %add3A_33 : vector<1024x1xf32>
    %mul3A_34 = vector.broadcast %rsqrt3A : vector<1024x1xf32> to vector<1024x768xf32>
    %mul3A_35 = arith.mulf %sub3A_23, %mul3A_34 : vector<1024x768xf32>
    %get3A_36 = arith.constant 0 : index
    %get3A_37 = arith.constant 0 : index
    %get3A_38 = vector.load %arg5[%get3A_36, %get3A_37] : memref<1x768xf32, #tpu.memory_space<vmem>>, vector<1x768xf32>
    %mul3A_39 = vector.broadcast %get3A_38 : vector<1x768xf32> to vector<1024x768xf32>
    %mul3A_40 = arith.mulf %mul3A_39, %mul3A_35 : vector<1024x768xf32>
    %get3A_41 = arith.constant 0 : index
    %get3A_42 = arith.constant 0 : index
    %get3A_43 = vector.load %arg6[%get3A_41, %get3A_42] : memref<1x768xf32, #tpu.memory_space<vmem>>, vector<1x768xf32>
    %add3A_44 = vector.broadcast %get3A_43 : vector<1x768xf32> to vector<1024x768xf32>
    %add3A_45 = arith.addf %mul3A_40, %add3A_44 : vector<1024x768xf32>
    %swap3A = arith.constant 0 : index
    %swap3A_46 = arith.constant 0 : index
    %swap3A_47 = vector.load %arg8[%swap3A, %swap3A_46] : memref<1024x768xf32, #tpu.memory_space<vmem>>, vector<1024x768xf32>
    tpu.vector_store %arg8[%swap3A, %swap3A_46], %add3A_45 {strides = array<i32>} : memref<1024x768xf32, #tpu.memory_space<vmem>>, vector<1024x768xf32>,
    return
  }
  func.func @transform_0(%arg0: i32) -> (i32, i32) {
    %c0_i32 = arith.constant 0 : i32
    %c0_i32_0 = arith.constant 0 : i32
    return %arg0, %c0_i32 : i32, i32
  }
  func.func @transform_1(%arg0: i32) -> (i32, i32) {
    %jit3A = arith.constant 2 : i32
    %eq3A = arith.constant 0 : i32
    %eq3A_0 = arith.cmpi eq, %jit3A, %eq3A : i32
    %jit3A_1 = arith.constant 1 : i32
    %select_n3A = arith.select %eq3A_0, %jit3A_1, %jit3A : i32
    %rem3A = arith.remsi %arg0, %select_n3A : i32
    %ne3A = arith.constant 0 : i32
    %ne3A_2 = arith.cmpi ne, %rem3A, %ne3A : i32
    %lt3A = arith.constant 0 : i32
    %lt3A_3 = arith.cmpi slt, %rem3A, %lt3A : i32
    %lt3A_4 = arith.constant 0 : i32
    %lt3A_5 = arith.cmpi slt, %select_n3A, %lt3A_4 : i32
    %ne3A_6 = arith.xori %lt3A_3, %lt3A_5 : i1
    %and3A = arith.andi %ne3A_6, %ne3A_2 : i1
    %add3A = arith.addi %rem3A, %select_n3A : i32
    %select_n3A_7 = arith.select %and3A, %add3A, %rem3A : i32
    %c0_i32 = arith.constant 0 : i32
    %c0_i32_8 = arith.constant 0 : i32
    return %select_n3A_7, %c0_i32 : i32, i32
  }
  func.func @transform_2(%arg0: i32) -> (i32, i32) {
    %c0_i32 = arith.constant 0 : i32
    %c0_i32_0 = arith.constant 0 : i32
    return %arg0, %c0_i32 : i32, i32
  }
  func.func @transform_3(%arg0: i32) -> (i32, i32) {
    %c0_i32 = arith.constant 0 : i32
    %c0_i32_0 = arith.constant 0 : i32
    %c0_i32_1 = arith.constant 0 : i32
    return %c0_i32, %c0_i32_0 : i32, i32
  }
  func.func @transform_4(%arg0: i32) -> (i32, i32) {
    %c0_i32 = arith.constant 0 : i32
    %c0_i32_0 = arith.constant 0 : i32
    %c0_i32_1 = arith.constant 0 : i32
    return %c0_i32, %c0_i32_0 : i32, i32
  }
  func.func @transform_5(%arg0: i32) -> (i32, i32) {
    %c0_i32 = arith.constant 0 : i32
    %c0_i32_0 = arith.constant 0 : i32
    %c0_i32_1 = arith.constant 0 : i32
    return %c0_i32, %c0_i32_0 : i32, i32
  }
  func.func @transform_7(%arg0: i32) -> (i32, i32) {
    %add3A = arith.constant 4 : i32
    %add3A_0 = arith.addi %add3A, %arg0 : i32
    %c0_i32 = arith.constant 0 : i32
    %c0_i32_1 = arith.constant 0 : i32
    return %add3A_0, %c0_i32 : i32, i32
  }
}

module attributes {stable_mosaic.version = 14 : i64} {
  func.func @_ln_body_alias(%arg0: i32, %arg1: memref<1024x768xf32, #tpu.memory_space<vmem>>, %arg2: memref<1024x768xf32, #tpu.memory_space<vmem>>, %arg3: memref<1024x1xf32, #tpu.memory_space<vmem>>, %arg4: memref<2x768xf32, #tpu.memory_space<vmem>>, %arg5: memref<1x768xf32, #tpu.memory_space<vmem>>, %arg6: memref<1x768xf32, #tpu.memory_space<vmem>>, %arg7: memref<8192x768xf32, #tpu.memory_space<any>>, %arg8: memref<1024x768xf32, #tpu.memory_space<vmem>>) attributes {dimension_semantics = [#tpu.dimension_semantics<arbitrary>], iteration_bounds = array<i64: 2>, scalar_prefetch = 0 : i64, scratch_operands = 0 : i64, tpu.core_type = #tpu.core_type<tc>, window_params = [{transform_indices = @transform_0, window_bounds = array<i64: 1024, 768>}, {transform_indices = @transform_1, window_bounds = array<i64: 1024, 768>}, {transform_indices = @transform_2, window_bounds = array<i64: 1024, 1>}, {pipeline_mode = #tpu.pipeline_mode<synchronous>, transform_indices = @transform_3, window_bounds = array<i64: 2, 768>}, {pipeline_mode = #tpu.pipeline_mode<synchronous>, transform_indices = @transform_4, window_bounds = array<i64: 1, 768>}, {pipeline_mode = #tpu.pipeline_mode<synchronous>, transform_indices = @transform_5, window_bounds = array<i64: 1, 768>}, {}, {transform_indices = @transform_7, window_bounds = array<i64: 1024, 768>}]} {
    %get3A = arith.constant 0 : index
    %get3A_0 = arith.constant 0 : index
    %get3A_1 = vector.load %arg3[%get3A, %get3A_0] : memref<1024x1xf32, #tpu.memory_space<vmem>>, vector<1024x1xf32>
    %get3A_2 = arith.constant 0 : index
    %get3A_3 = arith.constant 0 : index
    %get3A_4 = vector.load %arg4[%get3A_2, %get3A_3] : memref<2x768xf32, #tpu.memory_space<vmem>>, vector<1x768xf32>
    %get3A_5 = arith.constant 1 : index
    %get3A_6 = arith.constant 0 : index
    %get3A_7 = vector.load %arg4[%get3A_5, %get3A_6] : memref<2x768xf32, #tpu.memory_space<vmem>>, vector<1x768xf32>
    %get3A_8 = arith.constant 0 : index
    %get3A_9 = arith.constant 0 : index
    %get3A_10 = vector.load %arg1[%get3A_8, %get3A_9] : memref<1024x768xf32, #tpu.memory_space<vmem>>, vector<1024x768xf32>
    %get3A_11 = arith.constant 0 : index
    %get3A_12 = arith.constant 0 : index
    %get3A_13 = vector.load %arg2[%get3A_11, %get3A_12] : memref<1024x768xf32, #tpu.memory_space<vmem>>, vector<1024x768xf32>
    %add3A = arith.addf %get3A_10, %get3A_13 : vector<1024x768xf32>
    %add3A_14 = vector.broadcast %get3A_4 : vector<1x768xf32> to vector<1024x768xf32>
    %add3A_15 = arith.addf %add3A, %add3A_14 : vector<1024x768xf32>
    %sub3A = arith.subf %get3A_7, %get3A_4 : vector<1x768xf32>
    %mul3A = vector.broadcast %get3A_1 : vector<1024x1xf32> to vector<1024x768xf32>
    %mul3A_16 = vector.broadcast %sub3A : vector<1x768xf32> to vector<1024x768xf32>
    %mul3A_17 = arith.mulf %mul3A, %mul3A_16 : vector<1024x768xf32>
    %add3A_18 = arith.addf %add3A_15, %mul3A_17 : vector<1024x768xf32>
    %reduce_sum3A = arith.constant dense<0.000000e+00> : vector<1024xf32>
    %reduce_sum3A_19 = vector.multi_reduction <add>, %add3A_18, %reduce_sum3A [1] : vector<1024x768xf32> to vector<1024xf32>
    %broadcast_in_dim3A = vector.shape_cast %reduce_sum3A_19 : vector<1024xf32> to vector<1024x1xf32>
    %div3A = arith.constant 7.680000e+02 : f32
    %div3A_20 = vector.broadcast %div3A : f32 to vector<1024x1xf32>
    %div3A_21 = arith.divf %broadcast_in_dim3A, %div3A_20 : vector<1024x1xf32>
    %sub3A_22 = vector.broadcast %div3A_21 : vector<1024x1xf32> to vector<1024x768xf32>
    %sub3A_23 = arith.subf %add3A_18, %sub3A_22 : vector<1024x768xf32>
    %mul3A_24 = arith.mulf %sub3A_23, %sub3A_23 : vector<1024x768xf32>
    %reduce_sum3A_25 = arith.constant dense<0.000000e+00> : vector<1024xf32>
    %reduce_sum3A_26 = vector.multi_reduction <add>, %mul3A_24, %reduce_sum3A_25 [1] : vector<1024x768xf32> to vector<1024xf32>
    %broadcast_in_dim3A_27 = vector.shape_cast %reduce_sum3A_26 : vector<1024xf32> to vector<1024x1xf32>
    %div3A_28 = arith.constant 7.680000e+02 : f32
    %div3A_29 = vector.broadcast %div3A_28 : f32 to vector<1024x1xf32>
    %div3A_30 = arith.divf %broadcast_in_dim3A_27, %div3A_29 : vector<1024x1xf32>
    %add3A_31 = arith.constant 9.99999996E-13 : f32
    %add3A_32 = vector.broadcast %add3A_31 : f32 to vector<1024x1xf32>
    %add3A_33 = arith.addf %div3A_30, %add3A_32 : vector<1024x1xf32>
    %rsqrt3A = math.rsqrt %add3A_33 : vector<1024x1xf32>
    %mul3A_34 = vector.broadcast %rsqrt3A : vector<1024x1xf32> to vector<1024x768xf32>
    %mul3A_35 = arith.mulf %sub3A_23, %mul3A_34 : vector<1024x768xf32>
    %get3A_36 = arith.constant 0 : index
    %get3A_37 = arith.constant 0 : index
    %get3A_38 = vector.load %arg5[%get3A_36, %get3A_37] : memref<1x768xf32, #tpu.memory_space<vmem>>, vector<1x768xf32>
    %mul3A_39 = vector.broadcast %get3A_38 : vector<1x768xf32> to vector<1024x768xf32>
    %mul3A_40 = arith.mulf %mul3A_39, %mul3A_35 : vector<1024x768xf32>
    %get3A_41 = arith.constant 0 : index
    %get3A_42 = arith.constant 0 : index
    %get3A_43 = vector.load %arg6[%get3A_41, %get3A_42] : memref<1x768xf32, #tpu.memory_space<vmem>>, vector<1x768xf32>
    %add3A_44 = vector.broadcast %get3A_43 : vector<1x768xf32> to vector<1024x768xf32>
    %add3A_45 = arith.addf %mul3A_40, %add3A_44 : vector<1024x768xf32>
    %swap3A = arith.constant 0 : index
    %swap3A_46 = arith.constant 0 : index
    %swap3A_47 = vector.load %arg8[%swap3A, %swap3A_46] : memref<1024x768xf32, #tpu.memory_space<vmem>>, vector<1024x768xf32>
    tpu.vector_store %arg8[%swap3A, %swap3A_46], %add3A_45 {strides = array<i32>} : memref<1024x768xf32, #tpu.memory_space<vmem>>, vector<1024x768xf32>,
    return
  }
  func.func @transform_0(%arg0: i32) -> (i32, i32) {
    %c0_i32 = arith.constant 0 : i32
    %c0_i32_0 = arith.constant 0 : i32
    return %arg0, %c0_i32 : i32, i32
  }
  func.func @transform_1(%arg0: i32) -> (i32, i32) {
    %jit3A = arith.constant 2 : i32
    %eq3A = arith.constant 0 : i32
    %eq3A_0 = arith.cmpi eq, %jit3A, %eq3A : i32
    %jit3A_1 = arith.constant 1 : i32
    %select_n3A = arith.select %eq3A_0, %jit3A_1, %jit3A : i32
    %rem3A = arith.remsi %arg0, %select_n3A : i32
    %ne3A = arith.constant 0 : i32
    %ne3A_2 = arith.cmpi ne, %rem3A, %ne3A : i32
    %lt3A = arith.constant 0 : i32
    %lt3A_3 = arith.cmpi slt, %rem3A, %lt3A : i32
    %lt3A_4 = arith.constant 0 : i32
    %lt3A_5 = arith.cmpi slt, %select_n3A, %lt3A_4 : i32
    %ne3A_6 = arith.xori %lt3A_3, %lt3A_5 : i1
    %and3A = arith.andi %ne3A_6, %ne3A_2 : i1
    %add3A = arith.addi %rem3A, %select_n3A : i32
    %select_n3A_7 = arith.select %and3A, %add3A, %rem3A : i32
    %c0_i32 = arith.constant 0 : i32
    %c0_i32_8 = arith.constant 0 : i32
    return %select_n3A_7, %c0_i32 : i32, i32
  }
  func.func @transform_2(%arg0: i32) -> (i32, i32) {
    %c0_i32 = arith.constant 0 : i32
    %c0_i32_0 = arith.constant 0 : i32
    return %arg0, %c0_i32 : i32, i32
  }
  func.func @transform_3(%arg0: i32) -> (i32, i32) {
    %c0_i32 = arith.constant 0 : i32
    %c0_i32_0 = arith.constant 0 : i32
    %c0_i32_1 = arith.constant 0 : i32
    return %c0_i32, %c0_i32_0 : i32, i32
  }
  func.func @transform_4(%arg0: i32) -> (i32, i32) {
    %c0_i32 = arith.constant 0 : i32
    %c0_i32_0 = arith.constant 0 : i32
    %c0_i32_1 = arith.constant 0 : i32
    return %c0_i32, %c0_i32_0 : i32, i32
  }
  func.func @transform_5(%arg0: i32) -> (i32, i32) {
    %c0_i32 = arith.constant 0 : i32
    %c0_i32_0 = arith.constant 0 : i32
    %c0_i32_1 = arith.constant 0 : i32
    return %c0_i32, %c0_i32_0 : i32, i32
  }
  func.func @transform_7(%arg0: i32) -> (i32, i32) {
    %add3A = arith.constant 2 : i32
    %add3A_0 = arith.addi %add3A, %arg0 : i32
    %c0_i32 = arith.constant 0 : i32
    %c0_i32_1 = arith.constant 0 : i32
    return %add3A_0, %c0_i32 : i32, i32
  }
}

module attributes {stable_mosaic.version = 14 : i64} {
  func.func @_ln_body_alias(%arg0: i32, %arg1: memref<1024x768xf32, #tpu.memory_space<vmem>>, %arg2: memref<1024x768xf32, #tpu.memory_space<vmem>>, %arg3: memref<1024x1xf32, #tpu.memory_space<vmem>>, %arg4: memref<2x768xf32, #tpu.memory_space<vmem>>, %arg5: memref<1x768xf32, #tpu.memory_space<vmem>>, %arg6: memref<1x768xf32, #tpu.memory_space<vmem>>, %arg7: memref<8192x768xf32, #tpu.memory_space<any>>, %arg8: memref<1024x768xf32, #tpu.memory_space<vmem>>) attributes {dimension_semantics = [#tpu.dimension_semantics<arbitrary>], iteration_bounds = array<i64: 2>, scalar_prefetch = 0 : i64, scratch_operands = 0 : i64, tpu.core_type = #tpu.core_type<tc>, window_params = [{transform_indices = @transform_0, window_bounds = array<i64: 1024, 768>}, {transform_indices = @transform_1, window_bounds = array<i64: 1024, 768>}, {transform_indices = @transform_2, window_bounds = array<i64: 1024, 1>}, {pipeline_mode = #tpu.pipeline_mode<synchronous>, transform_indices = @transform_3, window_bounds = array<i64: 2, 768>}, {pipeline_mode = #tpu.pipeline_mode<synchronous>, transform_indices = @transform_4, window_bounds = array<i64: 1, 768>}, {pipeline_mode = #tpu.pipeline_mode<synchronous>, transform_indices = @transform_5, window_bounds = array<i64: 1, 768>}, {}, {transform_indices = @transform_7, window_bounds = array<i64: 1024, 768>}]} {
    %get3A = arith.constant 0 : index
    %get3A_0 = arith.constant 0 : index
    %get3A_1 = vector.load %arg3[%get3A, %get3A_0] : memref<1024x1xf32, #tpu.memory_space<vmem>>, vector<1024x1xf32>
    %get3A_2 = arith.constant 0 : index
    %get3A_3 = arith.constant 0 : index
    %get3A_4 = vector.load %arg4[%get3A_2, %get3A_3] : memref<2x768xf32, #tpu.memory_space<vmem>>, vector<1x768xf32>
    %get3A_5 = arith.constant 1 : index
    %get3A_6 = arith.constant 0 : index
    %get3A_7 = vector.load %arg4[%get3A_5, %get3A_6] : memref<2x768xf32, #tpu.memory_space<vmem>>, vector<1x768xf32>
    %get3A_8 = arith.constant 0 : index
    %get3A_9 = arith.constant 0 : index
    %get3A_10 = vector.load %arg1[%get3A_8, %get3A_9] : memref<1024x768xf32, #tpu.memory_space<vmem>>, vector<1024x768xf32>
    %get3A_11 = arith.constant 0 : index
    %get3A_12 = arith.constant 0 : index
    %get3A_13 = vector.load %arg2[%get3A_11, %get3A_12] : memref<1024x768xf32, #tpu.memory_space<vmem>>, vector<1024x768xf32>
    %add3A = arith.addf %get3A_10, %get3A_13 : vector<1024x768xf32>
    %add3A_14 = vector.broadcast %get3A_4 : vector<1x768xf32> to vector<1024x768xf32>
    %add3A_15 = arith.addf %add3A, %add3A_14 : vector<1024x768xf32>
    %sub3A = arith.subf %get3A_7, %get3A_4 : vector<1x768xf32>
    %mul3A = vector.broadcast %get3A_1 : vector<1024x1xf32> to vector<1024x768xf32>
    %mul3A_16 = vector.broadcast %sub3A : vector<1x768xf32> to vector<1024x768xf32>
    %mul3A_17 = arith.mulf %mul3A, %mul3A_16 : vector<1024x768xf32>
    %add3A_18 = arith.addf %add3A_15, %mul3A_17 : vector<1024x768xf32>
    %reduce_sum3A = arith.constant dense<0.000000e+00> : vector<1024xf32>
    %reduce_sum3A_19 = vector.multi_reduction <add>, %add3A_18, %reduce_sum3A [1] : vector<1024x768xf32> to vector<1024xf32>
    %broadcast_in_dim3A = vector.shape_cast %reduce_sum3A_19 : vector<1024xf32> to vector<1024x1xf32>
    %div3A = arith.constant 7.680000e+02 : f32
    %div3A_20 = vector.broadcast %div3A : f32 to vector<1024x1xf32>
    %div3A_21 = arith.divf %broadcast_in_dim3A, %div3A_20 : vector<1024x1xf32>
    %sub3A_22 = vector.broadcast %div3A_21 : vector<1024x1xf32> to vector<1024x768xf32>
    %sub3A_23 = arith.subf %add3A_18, %sub3A_22 : vector<1024x768xf32>
    %mul3A_24 = arith.mulf %sub3A_23, %sub3A_23 : vector<1024x768xf32>
    %reduce_sum3A_25 = arith.constant dense<0.000000e+00> : vector<1024xf32>
    %reduce_sum3A_26 = vector.multi_reduction <add>, %mul3A_24, %reduce_sum3A_25 [1] : vector<1024x768xf32> to vector<1024xf32>
    %broadcast_in_dim3A_27 = vector.shape_cast %reduce_sum3A_26 : vector<1024xf32> to vector<1024x1xf32>
    %div3A_28 = arith.constant 7.680000e+02 : f32
    %div3A_29 = vector.broadcast %div3A_28 : f32 to vector<1024x1xf32>
    %div3A_30 = arith.divf %broadcast_in_dim3A_27, %div3A_29 : vector<1024x1xf32>
    %add3A_31 = arith.constant 9.99999996E-13 : f32
    %add3A_32 = vector.broadcast %add3A_31 : f32 to vector<1024x1xf32>
    %add3A_33 = arith.addf %div3A_30, %add3A_32 : vector<1024x1xf32>
    %rsqrt3A = math.rsqrt %add3A_33 : vector<1024x1xf32>
    %mul3A_34 = vector.broadcast %rsqrt3A : vector<1024x1xf32> to vector<1024x768xf32>
    %mul3A_35 = arith.mulf %sub3A_23, %mul3A_34 : vector<1024x768xf32>
    %get3A_36 = arith.constant 0 : index
    %get3A_37 = arith.constant 0 : index
    %get3A_38 = vector.load %arg5[%get3A_36, %get3A_37] : memref<1x768xf32, #tpu.memory_space<vmem>>, vector<1x768xf32>
    %mul3A_39 = vector.broadcast %get3A_38 : vector<1x768xf32> to vector<1024x768xf32>
    %mul3A_40 = arith.mulf %mul3A_39, %mul3A_35 : vector<1024x768xf32>
    %get3A_41 = arith.constant 0 : index
    %get3A_42 = arith.constant 0 : index
    %get3A_43 = vector.load %arg6[%get3A_41, %get3A_42] : memref<1x768xf32, #tpu.memory_space<vmem>>, vector<1x768xf32>
    %add3A_44 = vector.broadcast %get3A_43 : vector<1x768xf32> to vector<1024x768xf32>
    %add3A_45 = arith.addf %mul3A_40, %add3A_44 : vector<1024x768xf32>
    %swap3A = arith.constant 0 : index
    %swap3A_46 = arith.constant 0 : index
    %swap3A_47 = vector.load %arg8[%swap3A, %swap3A_46] : memref<1024x768xf32, #tpu.memory_space<vmem>>, vector<1024x768xf32>
    tpu.vector_store %arg8[%swap3A, %swap3A_46], %add3A_45 {strides = array<i32>} : memref<1024x768xf32, #tpu.memory_space<vmem>>, vector<1024x768xf32>,
    return
  }
  func.func @transform_0(%arg0: i32) -> (i32, i32) {
    %c0_i32 = arith.constant 0 : i32
    %c0_i32_0 = arith.constant 0 : i32
    return %arg0, %c0_i32 : i32, i32
  }
  func.func @transform_1(%arg0: i32) -> (i32, i32) {
    %jit3A = arith.constant 2 : i32
    %eq3A = arith.constant 0 : i32
    %eq3A_0 = arith.cmpi eq, %jit3A, %eq3A : i32
    %jit3A_1 = arith.constant 1 : i32
    %select_n3A = arith.select %eq3A_0, %jit3A_1, %jit3A : i32
    %rem3A = arith.remsi %arg0, %select_n3A : i32
    %ne3A = arith.constant 0 : i32
    %ne3A_2 = arith.cmpi ne, %rem3A, %ne3A : i32
    %lt3A = arith.constant 0 : i32
    %lt3A_3 = arith.cmpi slt, %rem3A, %lt3A : i32
    %lt3A_4 = arith.constant 0 : i32
    %lt3A_5 = arith.cmpi slt, %select_n3A, %lt3A_4 : i32
    %ne3A_6 = arith.xori %lt3A_3, %lt3A_5 : i1
    %and3A = arith.andi %ne3A_6, %ne3A_2 : i1
    %add3A = arith.addi %rem3A, %select_n3A : i32
    %select_n3A_7 = arith.select %and3A, %add3A, %rem3A : i32
    %c0_i32 = arith.constant 0 : i32
    %c0_i32_8 = arith.constant 0 : i32
    return %select_n3A_7, %c0_i32 : i32, i32
  }
  func.func @transform_2(%arg0: i32) -> (i32, i32) {
    %c0_i32 = arith.constant 0 : i32
    %c0_i32_0 = arith.constant 0 : i32
    return %arg0, %c0_i32 : i32, i32
  }
  func.func @transform_3(%arg0: i32) -> (i32, i32) {
    %c0_i32 = arith.constant 0 : i32
    %c0_i32_0 = arith.constant 0 : i32
    %c0_i32_1 = arith.constant 0 : i32
    return %c0_i32, %c0_i32_0 : i32, i32
  }
  func.func @transform_4(%arg0: i32) -> (i32, i32) {
    %c0_i32 = arith.constant 0 : i32
    %c0_i32_0 = arith.constant 0 : i32
    %c0_i32_1 = arith.constant 0 : i32
    return %c0_i32, %c0_i32_0 : i32, i32
  }
  func.func @transform_5(%arg0: i32) -> (i32, i32) {
    %c0_i32 = arith.constant 0 : i32
    %c0_i32_0 = arith.constant 0 : i32
    %c0_i32_1 = arith.constant 0 : i32
    return %c0_i32, %c0_i32_0 : i32, i32
  }
  func.func @transform_7(%arg0: i32) -> (i32, i32) {
    %add3A = arith.constant 6 : i32
    %add3A_0 = arith.addi %add3A, %arg0 : i32
    %c0_i32 = arith.constant 0 : i32
    %c0_i32_1 = arith.constant 0 : i32
    return %add3A_0, %c0_i32 : i32, i32
  }
}

</mosaic_0001>

<sc_bundles>
// kernel: kernel.10.cloned.1.call-start
scs
__scs_entry_jumppad:
0x0: {  	(pc) =	sbr.rel $0x88, $3  }
0x1: {  	(tag) =	ssettag $0x0;
	lr =	simm.s32 $0x1  }
0x2: {  	[smem:$0x3F9A] =	sst lr;
	_ =	strace $0xD0000000  }
0x3: {  	_ = 	snop  }
0x4: {  	_ = 	snop  }
0x5: {  	_ = 	snop  }
0x6: {  	_ = 	snop  }
0x7: {  	_ = 	snop  }
__scs_overlays_trampoline_lowered:
0x8: {  	[smem:$0x3FA9] =	sst s0  }
0x9: {  	[smem:$0x3FAA] =	sst s1  }
0xa: {  	[smem:$0x3FAB] =	sst s2  }
0xb: {  	[smem:$0x3FAC] =	sst s3  }
0xc: {  	[smem:$0x3FAD] =	sst s4  }
0xd: {  	[smem:$0x3FAE] =	sst s5  }
0xe: {  	[smem:$0x3FAF] =	sst s6  }
0xf: {  	[smem:$0x3FB0] =	sst s7  }
0x10: {  	[smem:$0x3FB1] =	sst s8  }
0x11: {  	[smem:$0x3FB2] =	sst s9;
	s0 =	simm.s32 @!p0 $0x0  }
0x12: {  	s1 =	sld [smem:$0x3F98];
	s0 =	simm.s32 @p0 $0x1  }
0x13: {  	[smem:$0x3FB3] =	sst s0;
	s0 =	simm.s32 @!p1 $0x0  }
0x14: {  	s2 =	sld [smem:$0x3F97];
	s0 =	simm.s32 @p1 $0x1  }
0x15: {  	[smem:$0x3FB4] =	sst s0;
	s0 =	simm.s32 @!p2 $0x0  }
0x16: {  	s3 =	sld [smem:$0x3FDB];
	s0 =	simm.s32 @p2 $0x1  }
0x17: {  	s4 =	simm.s32 $0x1BF5;
	[smem:$0x3FB6] =	sst s0  }
0x18: {  	s0 =	sld [smem:$0x3F99];
	_ =	swait.ge [sflag:s4], $0x0  }
0x19: {  	s7 =	sld [smem:$0x3F9A]  }
0x1a: {  	s8 =	sadd.s32 $0xFFFFE003, lr  }
0x1b: {  	s9 =	sadd.s32 $0xFFFFFEF7, lr;
	s5 =	simm.s32 $0xFFFFFFFF;
	p2 =	slt.u32 s8, $0xFFFFF086  }
0x1c: {  	p1 =	slt.u32 s9, $0xF7A;
	s5 =	simm.s32 @!p2 $0x0  }
0x1d: {  	s5 =	simm.s32 @p1 $0x1;
	p0 =	seq.s32 s7, s2  }
0x1e: {  	s7 =	smul.u32 @!p0 $0xF7A, s2;
	p2 =	seq.s32 @!p0 s5, $0x0  }
0x1f: {  	s9 =	smul.u32 $0xF7A, s1;
	s8 =	simm.s32 @!p0 $0x1BF5;
	p2 =	por !p2, p0  }
0x20: {  	[sflag:s8] =	ssyncset.s32 @!p0 $0xFFFFF086;
	s6 =	sadd.s32 @!p0 s3, s7;
	s7 =	simm.s32 @!p0 $0x108  }
0x21: {  	s3 =	sadd.s32 s3, s9;
	s6 =	sadd.s32 @!p0 $0x88, s6;
	s7 =	simm.s32 @p2 $0x1082  }
0x22: {  	[simem:s7], [sflag:s8] =	dma.local @!p0 [hbm:s6], $0xF7A  }
0x23: {  	s9 =	sor.u32 $0xD0000000, s2;
	s6 =	simm.s32 $0x108;
	_ =	swait.ge @!p0 [sflag:s8], $0x0  }
0x24: {  	s3 =	sadd.s32 $0x88, s3;
	s6 =	simm.s32 @!p1 $0x1082;
	[sflag:s4] =	ssyncset.s32 $0xFFFFF086  }
0x25: {  	[simem:s6], [sflag:s4] =	dma.local [hbm:s3], $0xF7A  }
0x26: {  	[smem:$0x3F9A] =	sst s1;
	(tag) =	ssettag s2;
	_ =	strace s9  }
0x27: {  	s1 =	sld [smem:$0x3FAA]  }
0x28: {  	s2 =	sld [smem:$0x3FAB]  }
0x29: {  	s4 =	sld [smem:$0x3FAD]  }
0x2a: {  	p0 =	seq.s32 s5, $0x0;
	s5 =	sld [smem:$0x3FAE]  }
0x2b: {  	s6 =	sld [smem:$0x3FAF]  }
0x2c: {  	s7 =	sld [smem:$0x3FB0]  }
0x2d: {  	s3 =	simm.s32 $0x108;
	s8 =	sld [smem:$0x3FB1]  }
0x2e: {  	s3 =	simm.s32 @!p0 $0x1082;
	s9 =	sld [smem:$0x3FB2]  }
0x2f: {  	lr =	sadd.s32 s0, s3;
	s0 =	sld [smem:$0x3FA9]  }
0x30: {  	s3 =	sld [smem:$0x3FAC]  }
0x31: {  	[smem:$0x3FB5] =	sst s10  }
0x32: {  	s10 =	sld [smem:$0x3FB3];
	_ =	sdelay $0x3  }
0x33: {  	p0 =	seq.s32 s10, $0x1;
	s10 =	sld [smem:$0x3FB5];
	_ =	sdelay $0x3  }
0x34: {  	[smem:$0x3FB5] =	sst s10  }
0x35: {  	s10 =	sld [smem:$0x3FB4];
	_ =	sdelay $0x3  }
0x36: {  	p1 =	seq.s32 s10, $0x1;
	s10 =	sld [smem:$0x3FB5];
	_ =	sdelay $0x3  }
0x37: {  	[smem:$0x3FB5] =	sst s10  }
0x38: {  	s10 =	sld [smem:$0x3FB6]  }
0x39: {  	_ = 	snop;
	(pc) =	sbr.ind lr, $3  }
0x3a: {  	_ = 	snop  }
0x3b: {  	_ = 	snop  }
0x3c: {  	p2 =	seq.s32 s10, $0x1;
	s10 =	sld [smem:$0x3FB5]  }
0x3d: {  	_ =	shalt  }
0x3e: {  	_ =	shalt  }
0x3f: {  	_ =	shalt  }
0x40: {  	_ =	shalt  }
0x41: {  	_ =	shalt  }
0x42: {  	_ =	shalt  }
0x43: {  	_ =	shalt  }
0x44: {  	_ =	shalt  }
0x45: {  	_ =	shalt  }
0x46: {  	_ =	shalt  }
0x47: {  	_ =	shalt  }
0x48: {  	_ =	shalt  }
0x49: {  	_ =	shalt  }
0x4a: {  	_ =	shalt  }
0x4b: {  	_ =	shalt  }
0x4c: {  	_ =	shalt  }
0x4d: {  	_ =	shalt  }
0x4e: {  	_ =	shalt  }
0x4f: {  	_ =	shalt  }
0x50: {  	_ =	shalt  }
0x51: {  	_ =	shalt  }
0x52: {  	_ =	shalt  }
0x53: {  	_ =	shalt  }
0x54: {  	_ =	shalt  }
0x55: {  	_ =	shalt  }
0x56: {  	_ =	shalt  }
0x57: {  	_ =	shalt  }
0x58: {  	_ =	shalt  }
0x59: {  	_ =	shalt  }
0x5a: {  	_ =	shalt  }
0x5b: {  	_ =	shalt  }
0x5c: {  	_ =	shalt  }
0x5d: {  	_ =	shalt  }
0x5e: {  	_ =	shalt  }
0x5f: {  	_ =	shalt  }
0x60: {  	_ =	shalt  }
0x61: {  	_ =	shalt  }
0x62: {  	_ =	shalt  }
0x63: {  	_ =	shalt  }
0x64: {  	_ =	shalt  }
0x65: {  	_ =	shalt  }
0x66: {  	_ =	shalt  }
0x67: {  	_ =	shalt  }
0x68: {  	_ =	shalt  }
0x69: {  	_ =	shalt  }
0x6a: {  	_ =	shalt  }
0x6b: {  	_ =	shalt  }
0x6c: {  	_ =	shalt  }
0x6d: {  	_ =	shalt  }
0x6e: {  	_ =	shalt  }
0x6f: {  	_ =	shalt  }
0x70: {  	_ =	shalt  }
0x71: {  	_ =	shalt  }
0x72: {  	_ =	shalt  }
0x73: {  	_ =	shalt  }
0x74: {  	_ =	shalt  }
0x75: {  	_ =	shalt  }
0x76: {  	_ =	shalt  }
0x77: {  	_ =	shalt  }
0x78: {  	_ =	shalt  }
0x79: {  	_ =	shalt  }
0x7a: {  	_ =	shalt  }
0x7b: {  	_ =	shalt  }
0x7c: {  	_ =	shalt  }
0x7d: {  	_ =	shalt  }
0x7e: {  	_ =	shalt  }
0x7f: {  	_ =	shalt  }
0x80: {  	_ =	shalt  }
0x81: {  	_ =	shalt  }
0x82: {  	_ =	shalt  }
0x83: {  	_ =	shalt  }
0x84: {  	_ =	shalt  }
0x85: {  	_ =	shalt  }
0x86: {  	_ =	shalt  }
0x87: {  	_ =	shalt  }
.Lfunc_end0:
.L_simem_size_0:
called_computation_lowered:
.L_overlay_start_0:
0x88: {  	s2 =	sld [smem:$0x3FD9]  }
0x89: {  	s3 =	sld [smem:$0x3FFE];
	_ =	sdelay $0x1  }
0x8a: {  	s1 =	srdreg.scid  }
0x8b: {  	s0 =	sand.u32 $0x1, s1  }
0x8c: {  	s17 =	sshll.u32 s0, $0xA;
	s2 =	sadd.s32 s3, s2  }
0x8d: {  	s2 =	sadd.s32 s2, s17  }
0x8e: {  	[smem:$0x3FC1] =	sst s2  }
0x8f: {  	_ = 	snop  }
0x90: {  	s2 =	sld [smem:$0x3FC7]  }
0x91: {  	s18 =	sld [smem:$0x3FD0];
	(tm) =	ssettm $0x1  }
0x92: {  	s4 =	sld [smem:$0x3FFB];
	_ =	sdelay $0x3  }
0x93: {  	_ =	strace s4  }
0x94: {  	s4 =	sld [smem:$0x3FFC];
	_ =	sdelay $0x3  }
0x95: {  	_ =	strace s4  }
0x96: {  	s4 =	sld [smem:$0x3FFD];
	_ =	sdelay $0x3  }
0x97: {  	_ =	strace s4  }
0x98: {  	_ =	strace $0x8FFFFFFF  }
0x99: {  	s19 =	sld [smem:$0x3FDB];
	_ =	sdelay $0x1  }
0x9a: {  	s5 =	simm.s32 $_scs_section_size  }
0x9b: {  	s6 =	simm.s32 $_size__tile_overlayer_lowered;
	s7 =	simm.s32 $_tile_overlayer_lowered  }
0x9c: {  	s22 =	simm.s32 $0x1BFF;
	s21 =	sshll.u32 s7, $0x1;
	s4 =	sadd.s32 s5, s19  }
0x9d: {  	s8 =	simm.s32 $0x0;
	s20 =	sshll.u32 s6, $0x1;
	s6 =	sadd.s32 s21, s4  }
0x9e: {  	[timem:s8], [sflag:s22] =	dma.local [hbm:s6], s20  }
0x9f: {  	_ =	swait.ge [sflag:s22], s20  }
0xa0: {  	s5 =	ssub.s32 $0x0, s20;
	[sflag:s22] =	ssyncset.done $0x0  }
0xa1: {  	[sflag:s22] =	ssyncadd.s32 s5;
	_ =	sdelay $0x1  }
0xa2: {  	s23 =	simm.s32 $0x1B8B  }
0xa3: {  	_ =	swait.ge [sflag:s23], $0x1  }
0xa4: {  	[sflag:s23] =	ssyncset.done $0x0  }
0xa5: {  	s25 =	simm.s32 $0x1B8E;
	s24 =	sld [smem:$0x3FFE];
	[sflag:s23] =	ssyncadd.s32 $0xFFFFFFFF  }
0xa6: {  	s26 =	simm.s32 $execute0_lowered;
	[smem:$0x3FD2] =	sst s25  }
0xa7: {  	s6 =	sshll.u32 s26, $0x1;
	_ =	strace $0x80000046;
	[dreg:$0x1] =	wrdreg $0xFFFFFFFF  }
0xa8: {  	s28 =	simm.s32 $_size_execute0_lowered;
	s4 =	sadd.s32 s4, s6;
	[dreg:$0x0] =	wrdreg $0x0  }
0xa9: {  	s6 =	sshll.u32 s28, $0x1;
	[dreg:$0x2] =	wrdreg s4  }
0xaa: {  	[dreg:$0x3] =	wrdreg s6  }
0xab: {  	[dreg:$0x4] =	wrdreg $0xC0  }
0xac: {  	_ =	task [dreg:s8], $0x5FFFF  }
0xad: {  	[dreg:$0x1] =	wrdreg $0xFFFFFFFF  }
0xae: {  	[dreg:$0x0] =	wrdreg $0x60  }
0xaf: {  	[dreg:$0x2] =	wrdreg s2  }
0xb0: {  	[dreg:$0x3] =	wrdreg s24  }
0xb1: {  	[dreg:$0x4] =	wrdreg s18  }
0xb2: {  	[dreg:$0x5] =	wrdreg $0x9  }
0xb3: {  	_ =	task.clear_ibuf [dreg:s8], $0x6FFFF;
	_ =	strace $0x90000046  }
0xb4: {  	s29 =	simm.s32 $0x9;
	_ =	strace $0x80000048  }
0xb5: {  	_ =	swait.ge [sflag:s29], $0x1  }
0xb6: {  	[sflag:s29] =	ssyncadd.s32 $0xFFFFFFFF  }
0xb7: {  	_ =	strace $0x90000048  }
0xb8: {  	_ =	sfence  }
0xb9: {  	s30 =	sld [smem:$0x0];
	_ =	sdelay $0x2  }
0xba: {  	s31 =	sshll.u32 s1, $0xD;
	s1 =	sshrl.u32 s1, $0x2  }
0xbb: {  	s3 =	sand.u32 $0x4000, s31;
	s1 =	sadd.s32 s1, s30  }
0xbc: {  	s0 =	sor.u32 s3, s0;
	s1 =	sshll.u32 s1, $0x11  }
0xbd: {  	s0 =	sor.u32 s1, s0  }
0xbe: {  	s0 =	sadd.s32 $0x8F2B, s0  }
0xbf: {  	[sflag:s0] =	ssyncadd.remote.s32 $0x1  }
0xc0: {  	_ =	sfence.sel $0xFFFF  }
0xc1: {  	[dreg:$0x0] =	wrdreg $0xFFFFFFFF;
	(pc) =	sbr.abs _section_cstart, $3  }
0xc2: {  	[dreg:$0x1] =	wrdreg $0xFFFFFFFF  }
0xc3: {  	_ =	task.clear_ibuf [dreg:s8], $0x2FFFF;
	_ =	strace $0x9FFFFFFF  }
0xc4: {  	(tm) =	ssettm $0x7FFFFFFF  }
0xc5: {  	_ =	shalt  }
tec
execute0_lowered:
.L_overlay_start_1:
0x0: {  	(tag) =	ssettag $0x1  }
0x1: {  	s1 =	rddreg [dreg:$0x0]  }
0x2: {  	s0 =	rddreg [dreg:$0x1]  }
0x3: {  	s2 =	srdreg.scid;
	s5 =	rddreg [dreg:$0x2]  }
0x4: {  	s17 =	stileid.u32;
	s3 =	simm.s32 $0x0;
	s24 =	simm.s32 $0xA00  }
0x5: {  	s25 =	simm.s32 $0x1200;
	s26 =	simm.s32 $0x1A00;
	s11 =	simm.s32 $0x2A00  }
0x6: {  	s12 =	simm.s32 $0x3200;
	s13 =	simm.s32 $0x3A00;
	s14 =	simm.s32 $0x4200  }
0x7: {  	s15 =	simm.s32 $0x4A00;
	s16 =	simm.s32 $0x5200;
	s28 =	simm.s32 $0xAA00  }
0x8: {  	s29 =	simm.s32 $0xB200;
	s30 =	simm.s32 $0xBA00;
	s31 =	simm.s32 $0x1  }
0x9: {  	s4 =	sand.u32 $0x1, s2;
	s6 =	sshll.u32 s17, $0x4;
	[smem:$0x7FF] =	sst s3  }
0xa: {  	s19 =	sshll.u32 s17, $0x7;
	_ =	strace $0x80000047;
	[dreg:$0x8] =	wrdreg s24  }
0xb: {  	s17 =	simm.s32 $0x5A00;
	s7 =	sshll.u32 s4, $0x3;
	[dreg:$0x9] =	wrdreg s25  }
0xc: {  	s8 =	sshll.u32 s4, $0x6;
	s18 =	ssub.s32 $0x2, s4;
	[dreg:$0xa] =	wrdreg s26  }
0xd: {  	s24 =	simm.s32 $0x9200;
	s25 =	simm.s32 $0x9A00;
	s6 =	sor.u32 s7, s6  }
0xe: {  	s26 =	simm.s32 $0xA200;
	s0 =	sadd.s32 s8, s0;
	s7 =	smul.u32 $0x300, s6  }
0xf: {  	s9 =	sshrl.u32 s18, $0x1;
	s8 =	simm.s32 $0x3;
	s6 =	smul.u32 $0x1800, s6  }
0x10: {  	s0 =	sadd.s32 s19, s0;
	s21 =	ssub.s32 s18, s9;
	s9 =	simm.s32 $0x200  }
0x11: {  	s18 =	simm.s32 $0x6200;
	s19 =	simm.s32 $0x6A00;
	s0 =	sadd.s32 $0x2600, s0  }
0x12: {  	s4 =	sadd.s32 s5, s7;
	s6 =	sshrl.u32 s6, $0x3;
	[dreg:$0x4] =	wrdreg s0  }
0x13: {  	s7 =	smax.u32 s21, $0x1;
	s21 =	simm.s32 $0x7A00;
	s0 =	simm.s32 $0x2  }
0x14: {  	s20 =	sadd.s32 $0x600, s4;
	s6 =	sadd.s32 s5, s6;
	s5 =	sadd.s32 $0x100, s1  }
0x15: {  	v2 =	vlaneseq.u32;
	[dreg:$0x5] =	wrdreg s20;
	s22 =	sadd.s32 $0xC00, s6;
	s23 =	sadd.s32 $0x1200, s6  }
0x16: {  	vm0 =	vmmov $0xffff;
	v1 =	vshrl.u32 v2, $0x3;
	s6 =	sadd.s32 $0x200, s1;
	s20 =	simm.s32 $0x7200;
	[dreg:$0x6] =	wrdreg s22  }
0x17: {  	v0 =	vand.u32 $0x7, v2;
	v2 =	vor.u32 $0x8, v2;
	v1 =	vmul.u32 $0x8, v1;
	[dreg:$0x7] =	wrdreg s23;
	s22 =	simm.s32 $0x8200;
	s23 =	simm.s32 $0x8A00  }
.LBB2_1:
0x18: {  	s2 =	rddreg [dreg:$0x4]  }
0x19: {  	[tilespmem:s3], [sflag:$0x3] =	stream.linear.gather [hbm4b:s2+s3], $0x200, $0x38;
	[tilespmem:$0xC200] =	vst v63  }
0x1a: {  	_ =	swait.ge [sflag:s8], $0x200  }
0x1b: {  	[sflag:s8] =	ssyncset.done $0x0  }
0x1c: {  	[sflag:s8] =	ssyncadd.s32 $0xFFFFFE00  }
0x1d: {  	v3 =	vld [tilespmem:$0x0];
	_ =	sdelay $0x4  }
0x1e: {  	v4 =	vshrl.u32 v3, $0x3  }
0x1f: {  	v4 =	vmul.u32 $0x30, v4  }
0x20: {  	v3 =	vand.u32 $0x7, v3  }
0x21: {  	v3 =	vor.u32 v3, v4  }
0x22: {  	v4 =	vperm.xlane v3, v0;
	_ =	sdelay $0x1  }
0x23: {  	v4 =	vadd.s32 v1, v4;
	_ =	sdelay $0x3  }
0x24: {  	v3 =	vperm.xlane v3, v2  }
0x25: {  	[tilespmem:s9], [sflag:$0x1] =	stream.indirect_vreg.gather [hbm4b:s1+s3], $0x80, v4, vm0, $0xb8;
	[tilespmem:$0xC200] =	vst v63  }
0x26: {  	s2 =	rddreg [dreg:$0x8];
	v3 =	vadd.s32 v1, v3  }
0x27: {  	[tilespmem:s2], [sflag:$0x1] =	stream.indirect_vreg.gather [hbm4b:s5+s3], $0x80, v4, vm0, $0xb8;
	[tilespmem:$0xC200] =	vst v63  }
0x28: {  	s10 =	rddreg [dreg:$0x9]  }
0x29: {  	[tilespmem:s10], [sflag:$0x1] =	stream.indirect_vreg.gather [hbm4b:s6+s3], $0x80, v4, vm0, $0xb8;
	[tilespmem:$0xC200] =	vst v63  }
0x2a: {  	s2 =	rddreg [dreg:$0xa]  }
0x2b: {  	[tilespmem:s2], [sflag:$0x1] =	stream.indirect_vreg.gather [hbm4b:s1+s3], $0x80, v3, vm0, $0xb8;
	[tilespmem:$0xC200] =	vst v63  }
0x2c: {  	s10 =	simm.s32 $0x2200  }
0x2d: {  	[tilespmem:s10], [sflag:$0x1] =	stream.indirect_vreg.gather [hbm4b:s5+s3], $0x80, v3, vm0, $0xb8;
	[tilespmem:$0xC200] =	vst v63  }
0x2e: {  	_ = 	snop  }
0x2f: {  	[tilespmem:s11], [sflag:$0x1] =	stream.indirect_vreg.gather [hbm4b:s6+s3], $0x80, v3, vm0, $0xb8;
	[tilespmem:$0xC200] =	vst v63  }
0x30: {  	v3 =	vld [tilespmem:$0x80];
	_ =	sdelay $0x4  }
0x31: {  	v61 =	vshrl.u32 v3, $0x3  }
0x32: {  	v4 =	vmul.u32 $0x30, v61  }
0x33: {  	v3 =	vand.u32 $0x7, v3  }
0x34: {  	v3 =	vor.u32 v3, v4  }
0x35: {  	v4 =	vperm.xlane v3, v0;
	_ =	sdelay $0x1  }
0x36: {  	v4 =	vadd.s32 v1, v4;
	_ =	sdelay $0x3  }
0x37: {  	v3 =	vperm.xlane v3, v2  }
0x38: {  	[tilespmem:s12], [sflag:$0x1] =	stream.indirect_vreg.gather [hbm4b:s1+s3], $0x80, v4, vm0, $0xb8;
	[tilespmem:$0xC200] =	vst v63  }
0x39: {  	v3 =	vadd.s32 v1, v3  }
0x3a: {  	[tilespmem:s13], [sflag:$0x1] =	stream.indirect_vreg.gather [hbm4b:s5+s3], $0x80, v4, vm0, $0xb8;
	[tilespmem:$0xC200] =	vst v63  }
0x3b: {  	_ = 	snop  }
0x3c: {  	[tilespmem:s14], [sflag:$0x1] =	stream.indirect_vreg.gather [hbm4b:s6+s3], $0x80, v4, vm0, $0xb8;
	[tilespmem:$0xC200] =	vst v63  }
0x3d: {  	_ = 	snop  }
0x3e: {  	[tilespmem:s15], [sflag:$0x1] =	stream.indirect_vreg.gather [hbm4b:s1+s3], $0x80, v3, vm0, $0xb8;
	[tilespmem:$0xC200] =	vst v63  }
0x3f: {  	_ = 	snop  }
0x40: {  	[tilespmem:s16], [sflag:$0x1] =	stream.indirect_vreg.gather [hbm4b:s5+s3], $0x80, v3, vm0, $0xb8;
	[tilespmem:$0xC200] =	vst v63  }
0x41: {  	_ = 	snop  }
0x42: {  	[tilespmem:s17], [sflag:$0x1] =	stream.indirect_vreg.gather [hbm4b:s6+s3], $0x80, v3, vm0, $0xb8;
	[tilespmem:$0xC200] =	vst v63  }
0x43: {  	v3 =	vld [tilespmem:$0x100];
	_ =	sdelay $0x4  }
0x44: {  	v62 =	vshrl.u32 v3, $0x3  }
0x45: {  	v4 =	vmul.u32 $0x30, v62  }
0x46: {  	v3 =	vand.u32 $0x7, v3  }
0x47: {  	v3 =	vor.u32 v3, v4  }
0x48: {  	v4 =	vperm.xlane v3, v0;
	_ =	sdelay $0x1  }
0x49: {  	v4 =	vadd.s32 v1, v4;
	_ =	sdelay $0x3  }
0x4a: {  	v3 =	vperm.xlane v3, v2  }
0x4b: {  	[tilespmem:s18], [sflag:$0x1] =	stream.indirect_vreg.gather [hbm4b:s1+s3], $0x80, v4, vm0, $0xb8;
	[tilespmem:$0xC200] =	vst v63  }
0x4c: {  	v3 =	vadd.s32 v1, v3  }
0x4d: {  	[tilespmem:s19], [sflag:$0x1] =	stream.indirect_vreg.gather [hbm4b:s5+s3], $0x80, v4, vm0, $0xb8;
	[tilespmem:$0xC200] =	vst v63  }
0x4e: {  	_ = 	snop  }
0x4f: {  	[tilespmem:s20], [sflag:$0x1] =	stream.indirect_vreg.gather [hbm4b:s6+s3], $0x80, v4, vm0, $0xb8;
	[tilespmem:$0xC200] =	vst v63  }
0x50: {  	_ = 	snop  }
0x51: {  	[tilespmem:s21], [sflag:$0x1] =	stream.indirect_vreg.gather [hbm4b:s1+s3], $0x80, v3, vm0, $0xb8;
	[tilespmem:$0xC200] =	vst v63  }
0x52: {  	_ = 	snop  }
0x53: {  	[tilespmem:s22], [sflag:$0x1] =	stream.indirect_vreg.gather [hbm4b:s5+s3], $0x80, v3, vm0, $0xb8;
	[tilespmem:$0xC200] =	vst v63  }
0x54: {  	_ = 	snop  }
0x55: {  	[tilespmem:s23], [sflag:$0x1] =	stream.indirect_vreg.gather [hbm4b:s6+s3], $0x80, v3, vm0, $0xb8;
	[tilespmem:$0xC200] =	vst v63  }
0x56: {  	v3 =	vld [tilespmem:$0x180];
	_ =	sdelay $0x4  }
0x57: {  	v63 =	vshrl.u32 v3, $0x3  }
0x58: {  	v4 =	vmul.u32 $0x30, v63  }
0x59: {  	v3 =	vand.u32 $0x7, v3  }
0x5a: {  	v3 =	vor.u32 v3, v4  }
0x5b: {  	v4 =	vperm.xlane v3, v0;
	_ =	sdelay $0x1  }
0x5c: {  	v4 =	vadd.s32 v1, v4;
	_ =	sdelay $0x3  }
0x5d: {  	v3 =	vperm.xlane v3, v2  }
0x5e: {  	[tilespmem:s24], [sflag:$0x1] =	stream.indirect_vreg.gather [hbm4b:s1+s3], $0x80, v4, vm0, $0xb8;
	[tilespmem:$0xC200] =	vst v63  }
0x5f: {  	v3 =	vadd.s32 v1, v3  }
0x60: {  	[tilespmem:s25], [sflag:$0x1] =	stream.indirect_vreg.gather [hbm4b:s5+s3], $0x80, v4, vm0, $0xb8;
	[tilespmem:$0xC200] =	vst v63  }
0x61: {  	_ = 	snop  }
0x62: {  	[tilespmem:s26], [sflag:$0x1] =	stream.indirect_vreg.gather [hbm4b:s6+s3], $0x80, v4, vm0, $0xb8;
	[tilespmem:$0xC200] =	vst v63  }
0x63: {  	_ = 	snop  }
0x64: {  	[tilespmem:s28], [sflag:$0x1] =	stream.indirect_vreg.gather [hbm4b:s1+s3], $0x80, v3, vm0, $0xb8;
	[tilespmem:$0xC200] =	vst v63  }
0x65: {  	_ = 	snop  }
0x66: {  	[tilespmem:s29], [sflag:$0x1] =	stream.indirect_vreg.gather [hbm4b:s5+s3], $0x80, v3, vm0, $0xb8;
	[tilespmem:$0xC200] =	vst v63  }
0x67: {  	_ = 	snop  }
0x68: {  	[tilespmem:s30], [sflag:$0x1] =	stream.indirect_vreg.gather [hbm4b:s6+s3], $0x80, v3, vm0, $0xb8;
	[tilespmem:$0xC200] =	vst v63  }
0x69: {  	_ =	swait.ge [sflag:s31], $0x3000  }
0x6a: {  	[sflag:s31] =	ssyncset.done $0x0  }
0x6b: {  	[sflag:s31] =	ssyncadd.s32 $0xFFFFD000  }
0x6c: {  	[hbm4b:s4+s3] =	stream.linear.scatter [tilespmem:s9], [sflag:$0x2], $0x3000, $0x38;
	[tilespmem:$0xC200] =	vst v63  }
0x6d: {  	_ =	swait.ge [sflag:s31], $0x3000  }
0x6e: {  	[sflag:s31] =	ssyncset.done $0x0  }
0x6f: {  	s10 =	rddreg [dreg:$0x5];
	[sflag:s31] =	ssyncadd.s32 $0xFFFFD000  }
0x70: {  	[hbm4b:s10+s3] =	stream.linear.scatter [tilespmem:s12], [sflag:$0x2], $0x3000, $0x38;
	[tilespmem:$0xC200] =	vst v63  }
0x71: {  	_ =	swait.ge [sflag:s31], $0x3000  }
0x72: {  	[sflag:s31] =	ssyncset.done $0x0  }
0x73: {  	s10 =	rddreg [dreg:$0x6];
	[sflag:s31] =	ssyncadd.s32 $0xFFFFD000  }
0x74: {  	[hbm4b:s10+s3] =	stream.linear.scatter [tilespmem:s18], [sflag:$0x2], $0x3000, $0x38;
	[tilespmem:$0xC200] =	vst v63  }
0x75: {  	_ =	swait.ge [sflag:s31], $0x3000  }
0x76: {  	[sflag:s31] =	ssyncset.done $0x0  }
0x77: {  	s10 =	rddreg [dreg:$0x7];
	[sflag:s31] =	ssyncadd.s32 $0xFFFFD000  }
0x78: {  	[hbm4b:s10+s3] =	stream.linear.scatter [tilespmem:s24], [sflag:$0x2], $0x3000, $0x38;
	[tilespmem:$0xC200] =	vst v63  }
0x79: {  	_ =	swait.ge [sflag:s0], $0x3000  }
0x7a: {  	[sflag:s0] =	ssyncset.done $0x0  }
0x7b: {  	[sflag:s0] =	ssyncadd.s32 $0xFFFFD000  }
0x7c: {  	_ =	swait.ge [sflag:s0], $0x3000  }
0x7d: {  	[sflag:s0] =	ssyncset.done $0x0  }
0x7e: {  	[sflag:s0] =	ssyncadd.s32 $0xFFFFD000  }
0x7f: {  	p0 =	sne.s32 s7, $0x1;
	_ =	swait.ge [sflag:s0], $0x3000  }
.Ltmp0:
0x80: {  	[sflag:s0] =	ssyncset.done $0x0;
	(pc) =	sbr.rel @p0 .LBB2_1-.Ltmp0, $4  }
0x81: {  	[sflag:s0] =	ssyncadd.s32 $0xFFFFD000  }
0x82: {  	_ =	swait.ge [sflag:s0], $0x3000  }
0x83: {  	[sflag:s0] =	ssyncset.done $0x0  }
0x84: {  	s7 =	sadd.s32 $0xFFFFFFFF, s7;
	[sflag:s0] =	ssyncadd.s32 $0xFFFFD000  }
0x85: {  	_ =	sfence.sel $0x180000  }
0x86: {  	[bflag:$0x0] =	sbarrier.arrive $0xFFFF  }
0x87: {  	_ =	strace $0x90000047  }
0x88: {  	s0 =	stileid.u32;
	[bflag:$0x2] =	sbarrier.arrive $0xFFFF  }
0x89: {  	p0 =	sne.s32 s0, $0x0;
	s0 =	rddreg [dreg:$0x3]  }
0x8a: {  	s0 =	sadd.s32 @!p0 $0x100000, s0  }
0x8b: {  	[sflag:s0] =	ssyncadd.tile.s32 @!p0 $0x1;
	_ =	shalt  }
.Lfunc_end2:
_tile_overlayer_lowered:
.L_overlay_start_2:
0x8c: {  	(tag) =	ssettag $0x2  }
0x8d: {  	s0 =	rddreg [dreg:$0x0];
	s2 =	stileid.u32  }
0x8e: {  	s1 =	rddreg [dreg:$0x1];
	p0 =	sne.s32 s2, $0x0  }
0x8f: {  	s3 =	rddreg [dreg:$0x2];
	[bflag:$0x3] =	sbarrier.arrive $0xFFFF;
	s2 =	simm.s32 @!p0 $0x1C03  }
0x90: {  	[timem:s3], [sflag:s2] =	dma.local @!p0 [hbm:s0], s1  }
0x91: {  	s0 =	simm.s32 @!p0 $0x3  }
0x92: {  	_ =	swait.ge @!p0 [sflag:s0], s1  }
0x93: {  	s1 =	ssub.s32 @!p0 $0x0, s1;
	[sflag:s0] =	ssyncset.done @!p0 $0x0  }
0x94: {  	[sflag:s0] =	ssyncadd.s32 @!p0 s1  }
0x95: {  	[bflag:$0x3] =	sbarrier.arrive $0xFFFF  }
0x96: {  	_ =	shalt  }

// kernel: kernel.13.cloned.1.call-start
scs
__scs_entry_jumppad:
0x0: {  	(pc) =	sbr.rel $0x88, $3  }
0x1: {  	(tag) =	ssettag $0x0;
	lr =	simm.s32 $0x1  }
0x2: {  	[smem:$0x3F9A] =	sst lr;
	_ =	strace $0xD0000000  }
0x3: {  	_ = 	snop  }
0x4: {  	_ = 	snop  }
0x5: {  	_ = 	snop  }
0x6: {  	_ = 	snop  }
0x7: {  	_ = 	snop  }
__scs_overlays_trampoline_lowered:
0x8: {  	[smem:$0x3FA9] =	sst s0  }
0x9: {  	[smem:$0x3FAA] =	sst s1  }
0xa: {  	[smem:$0x3FAB] =	sst s2  }
0xb: {  	[smem:$0x3FAC] =	sst s3  }
0xc: {  	[smem:$0x3FAD] =	sst s4  }
0xd: {  	[smem:$0x3FAE] =	sst s5  }
0xe: {  	[smem:$0x3FAF] =	sst s6  }
0xf: {  	[smem:$0x3FB0] =	sst s7  }
0x10: {  	[smem:$0x3FB1] =	sst s8  }
0x11: {  	[smem:$0x3FB2] =	sst s9;
	s0 =	simm.s32 @!p0 $0x0  }
0x12: {  	s1 =	sld [smem:$0x3F98];
	s0 =	simm.s32 @p0 $0x1  }
0x13: {  	[smem:$0x3FB3] =	sst s0;
	s0 =	simm.s32 @!p1 $0x0  }
0x14: {  	s2 =	sld [smem:$0x3F97];
	s0 =	simm.s32 @p1 $0x1  }
0x15: {  	[smem:$0x3FB4] =	sst s0;
	s0 =	simm.s32 @!p2 $0x0  }
0x16: {  	s3 =	sld [smem:$0x3FDB];
	s0 =	simm.s32 @p2 $0x1  }
0x17: {  	s4 =	simm.s32 $0x1BF5;
	[smem:$0x3FB6] =	sst s0  }
0x18: {  	s0 =	sld [smem:$0x3F99];
	_ =	swait.ge [sflag:s4], $0x0  }
0x19: {  	s7 =	sld [smem:$0x3F9A]  }
0x1a: {  	s8 =	sadd.s32 $0xFFFFE003, lr  }
0x1b: {  	s9 =	sadd.s32 $0xFFFFFEF7, lr;
	s5 =	simm.s32 $0xFFFFFFFF;
	p2 =	slt.u32 s8, $0xFFFFF086  }
0x1c: {  	p1 =	slt.u32 s9, $0xF7A;
	s5 =	simm.s32 @!p2 $0x0  }
0x1d: {  	s5 =	simm.s32 @p1 $0x1;
	p0 =	seq.s32 s7, s2  }
0x1e: {  	s7 =	smul.u32 @!p0 $0xF7A, s2;
	p2 =	seq.s32 @!p0 s5, $0x0  }
0x1f: {  	s9 =	smul.u32 $0xF7A, s1;
	s8 =	simm.s32 @!p0 $0x1BF5;
	p2 =	por !p2, p0  }
0x20: {  	[sflag:s8] =	ssyncset.s32 @!p0 $0xFFFFF086;
	s6 =	sadd.s32 @!p0 s3, s7;
	s7 =	simm.s32 @!p0 $0x108  }
0x21: {  	s3 =	sadd.s32 s3, s9;
	s6 =	sadd.s32 @!p0 $0x88, s6;
	s7 =	simm.s32 @p2 $0x1082  }
0x22: {  	[simem:s7], [sflag:s8] =	dma.local @!p0 [hbm:s6], $0xF7A  }
0x23: {  	s9 =	sor.u32 $0xD0000000, s2;
	s6 =	simm.s32 $0x108;
	_ =	swait.ge @!p0 [sflag:s8], $0x0  }
0x24: {  	s3 =	sadd.s32 $0x88, s3;
	s6 =	simm.s32 @!p1 $0x1082;
	[sflag:s4] =	ssyncset.s32 $0xFFFFF086  }
0x25: {  	[simem:s6], [sflag:s4] =	dma.local [hbm:s3], $0xF7A  }
0x26: {  	[smem:$0x3F9A] =	sst s1;
	(tag) =	ssettag s2;
	_ =	strace s9  }
0x27: {  	s1 =	sld [smem:$0x3FAA]  }
0x28: {  	s2 =	sld [smem:$0x3FAB]  }
0x29: {  	s4 =	sld [smem:$0x3FAD]  }
0x2a: {  	p0 =	seq.s32 s5, $0x0;
	s5 =	sld [smem:$0x3FAE]  }
0x2b: {  	s6 =	sld [smem:$0x3FAF]  }
0x2c: {  	s7 =	sld [smem:$0x3FB0]  }
0x2d: {  	s3 =	simm.s32 $0x108;
	s8 =	sld [smem:$0x3FB1]  }
0x2e: {  	s3 =	simm.s32 @!p0 $0x1082;
	s9 =	sld [smem:$0x3FB2]  }
0x2f: {  	lr =	sadd.s32 s0, s3;
	s0 =	sld [smem:$0x3FA9]  }
0x30: {  	s3 =	sld [smem:$0x3FAC]  }
0x31: {  	[smem:$0x3FB5] =	sst s10  }
0x32: {  	s10 =	sld [smem:$0x3FB3];
	_ =	sdelay $0x3  }
0x33: {  	p0 =	seq.s32 s10, $0x1;
	s10 =	sld [smem:$0x3FB5];
	_ =	sdelay $0x3  }
0x34: {  	[smem:$0x3FB5] =	sst s10  }
0x35: {  	s10 =	sld [smem:$0x3FB4];
	_ =	sdelay $0x3  }
0x36: {  	p1 =	seq.s32 s10, $0x1;
	s10 =	sld [smem:$0x3FB5];
	_ =	sdelay $0x3  }
0x37: {  	[smem:$0x3FB5] =	sst s10  }
0x38: {  	s10 =	sld [smem:$0x3FB6]  }
0x39: {  	_ = 	snop;
	(pc) =	sbr.ind lr, $3  }
0x3a: {  	_ = 	snop  }
0x3b: {  	_ = 	snop  }
0x3c: {  	p2 =	seq.s32 s10, $0x1;
	s10 =	sld [smem:$0x3FB5]  }
0x3d: {  	_ =	shalt  }
0x3e: {  	_ =	shalt  }
0x3f: {  	_ =	shalt  }
0x40: {  	_ =	shalt  }
0x41: {  	_ =	shalt  }
0x42: {  	_ =	shalt  }
0x43: {  	_ =	shalt  }
0x44: {  	_ =	shalt  }
0x45: {  	_ =	shalt  }
0x46: {  	_ =	shalt  }
0x47: {  	_ =	shalt  }
0x48: {  	_ =	shalt  }
0x49: {  	_ =	shalt  }
0x4a: {  	_ =	shalt  }
0x4b: {  	_ =	shalt  }
0x4c: {  	_ =	shalt  }
0x4d: {  	_ =	shalt  }
0x4e: {  	_ =	shalt  }
0x4f: {  	_ =	shalt  }
0x50: {  	_ =	shalt  }
0x51: {  	_ =	shalt  }
0x52: {  	_ =	shalt  }
0x53: {  	_ =	shalt  }
0x54: {  	_ =	shalt  }
0x55: {  	_ =	shalt  }
0x56: {  	_ =	shalt  }
0x57: {  	_ =	shalt  }
0x58: {  	_ =	shalt  }
0x59: {  	_ =	shalt  }
0x5a: {  	_ =	shalt  }
0x5b: {  	_ =	shalt  }
0x5c: {  	_ =	shalt  }
0x5d: {  	_ =	shalt  }
0x5e: {  	_ =	shalt  }
0x5f: {  	_ =	shalt  }
0x60: {  	_ =	shalt  }
0x61: {  	_ =	shalt  }
0x62: {  	_ =	shalt  }
0x63: {  	_ =	shalt  }
0x64: {  	_ =	shalt  }
0x65: {  	_ =	shalt  }
0x66: {  	_ =	shalt  }
0x67: {  	_ =	shalt  }
0x68: {  	_ =	shalt  }
0x69: {  	_ =	shalt  }
0x6a: {  	_ =	shalt  }
0x6b: {  	_ =	shalt  }
0x6c: {  	_ =	shalt  }
0x6d: {  	_ =	shalt  }
0x6e: {  	_ =	shalt  }
0x6f: {  	_ =	shalt  }
0x70: {  	_ =	shalt  }
0x71: {  	_ =	shalt  }
0x72: {  	_ =	shalt  }
0x73: {  	_ =	shalt  }
0x74: {  	_ =	shalt  }
0x75: {  	_ =	shalt  }
0x76: {  	_ =	shalt  }
0x77: {  	_ =	shalt  }
0x78: {  	_ =	shalt  }
0x79: {  	_ =	shalt  }
0x7a: {  	_ =	shalt  }
0x7b: {  	_ =	shalt  }
0x7c: {  	_ =	shalt  }
0x7d: {  	_ =	shalt  }
0x7e: {  	_ =	shalt  }
0x7f: {  	_ =	shalt  }
0x80: {  	_ =	shalt  }
0x81: {  	_ =	shalt  }
0x82: {  	_ =	shalt  }
0x83: {  	_ =	shalt  }
0x84: {  	_ =	shalt  }
0x85: {  	_ =	shalt  }
0x86: {  	_ =	shalt  }
0x87: {  	_ =	shalt  }
.Lfunc_end0:
.L_simem_size_0:
called_computation.1_lowered:
.L_overlay_start_0:
0x88: {  	s2 =	sld [smem:$0x3FD9]  }
0x89: {  	s3 =	sld [smem:$0x3FFE];
	_ =	sdelay $0x1  }
0x8a: {  	s1 =	srdreg.scid  }
0x8b: {  	s0 =	sand.u32 $0x1, s1  }
0x8c: {  	s17 =	sshll.u32 s0, $0xA;
	s2 =	sadd.s32 s3, s2  }
0x8d: {  	s2 =	sadd.s32 s2, s17  }
0x8e: {  	[smem:$0x3FC1] =	sst s2  }
0x8f: {  	_ = 	snop  }
0x90: {  	s18 =	sld [smem:$0x3FC7];
	(tm) =	ssettm $0x1  }
0x91: {  	s19 =	sld [smem:$0x3FFB];
	_ =	sdelay $0x3  }
0x92: {  	_ =	strace s19  }
0x93: {  	s2 =	sld [smem:$0x3FFC];
	_ =	sdelay $0x3  }
0x94: {  	_ =	strace s2  }
0x95: {  	s2 =	sld [smem:$0x3FFD];
	_ =	sdelay $0x3  }
0x96: {  	_ =	strace s2  }
0x97: {  	_ =	strace $0x8FFFFFFF  }
0x98: {  	s20 =	sld [smem:$0x3FDB];
	_ =	sdelay $0x1  }
0x99: {  	s4 =	simm.s32 $_scs_section_size  }
0x9a: {  	s5 =	simm.s32 $_size__tile_overlayer_lowered;
	s6 =	simm.s32 $_tile_overlayer_lowered  }
0x9b: {  	s7 =	simm.s32 $0x1BFF;
	s21 =	sshll.u32 s6, $0x1;
	s4 =	sadd.s32 s4, s20  }
0x9c: {  	s22 =	simm.s32 $0x0;
	s5 =	sshll.u32 s5, $0x1;
	s6 =	sadd.s32 s21, s4  }
0x9d: {  	[timem:s22], [sflag:s7] =	dma.local [hbm:s6], s5  }
0x9e: {  	_ =	swait.ge [sflag:s7], s5  }
0x9f: {  	s5 =	ssub.s32 $0x0, s5;
	[sflag:s7] =	ssyncset.done $0x0  }
0xa0: {  	[sflag:s7] =	ssyncadd.s32 s5;
	_ =	sdelay $0x1  }
0xa1: {  	s23 =	simm.s32 $0x1B8B  }
0xa2: {  	_ =	swait.ge [sflag:s23], $0x1  }
0xa3: {  	[sflag:s23] =	ssyncset.done $0x0  }
0xa4: {  	[sflag:s23] =	ssyncadd.s32 $0xFFFFFFFF  }
0xa5: {  	s5 =	sld [smem:$0x0]  }
0xa6: {  	s6 =	sand.u32 $0xFFFFFFFE, s1  }
0xa7: {  	p0 =	sne.s32 s1, s6  }
0xa8: {  	s6 =	sshll.u32 @p0 s6, $0xE  }
0xa9: {  	s6 =	sadd.s32 @p0 $0x11B8D, s6;
	s7 =	sshll.u32 @p0 s5, $0x11  }
0xaa: {  	s6 =	sor.u32 @p0 s7, s6  }
0xab: {  	[sflag:s6] =	ssyncadd.remote.s32 @p0 $0x1;
	_ =	sdelay $0x1  }
0xac: {  	s6 =	simm.s32 @p0 $0x1B8D  }
0xad: {  	_ =	swait.eq @p0 [sflag:s6], $0x1  }
0xae: {  	[sflag:s6] =	ssyncadd.s32 @p0 $0xFFFFFFFF  }
0xaf: {  	s7 =	sshll.u32 @!p0 s1, $0xE  }
0xb0: {  	s7 =	sor.u32 @!p0 $0x4000, s7;
	s6 =	simm.s32 @!p0 $0x1B8D  }
0xb1: {  	s5 =	sshll.u32 @!p0 s5, $0x11;
	s7 =	sadd.s32 @!p0 $0x11B8D, s7;
	_ =	swait.eq @!p0 [sflag:s6], $0x1  }
0xb2: {  	s5 =	sor.u32 @!p0 s5, s7;
	[sflag:s6] =	ssyncadd.s32 @!p0 $0xFFFFFFFF  }
0xb3: {  	s25 =	simm.s32 $0x1B8E;
	s24 =	sld [smem:$0x3FFE];
	[sflag:s5] =	ssyncadd.remote.s32 @!p0 $0x1  }
0xb4: {  	s26 =	simm.s32 $execute0_lowered;
	[smem:$0x3FD2] =	sst s25  }
0xb5: {  	s6 =	sshll.u32 s26, $0x1;
	_ =	strace $0x80000049;
	[dreg:$0x1] =	wrdreg $0xFFFFFFFF  }
0xb6: {  	s28 =	simm.s32 $_size_execute0_lowered;
	s4 =	sadd.s32 s4, s6;
	[dreg:$0x0] =	wrdreg $0x0  }
0xb7: {  	s6 =	sshll.u32 s28, $0x1;
	[dreg:$0x2] =	wrdreg s4  }
0xb8: {  	[dreg:$0x3] =	wrdreg s6  }
0xb9: {  	[dreg:$0x4] =	wrdreg $0xC0  }
0xba: {  	_ =	task [dreg:s22], $0x5FFFF  }
0xbb: {  	[dreg:$0x1] =	wrdreg $0xFFFFFFFF  }
0xbc: {  	[dreg:$0x0] =	wrdreg $0x60  }
0xbd: {  	[dreg:$0x2] =	wrdreg s18  }
0xbe: {  	[dreg:$0x3] =	wrdreg s24  }
0xbf: {  	[dreg:$0x4] =	wrdreg $0xA  }
0xc0: {  	_ =	task.clear_ibuf [dreg:s22], $0x5FFFF;
	_ =	strace $0x90000049  }
0xc1: {  	s29 =	simm.s32 $0xA;
	_ =	strace $0x8000004B  }
0xc2: {  	_ =	swait.ge [sflag:s29], $0x1  }
0xc3: {  	[sflag:s29] =	ssyncadd.s32 $0xFFFFFFFF  }
0xc4: {  	_ =	strace $0x9000004B  }
0xc5: {  	_ =	sfence  }
0xc6: {  	s30 =	sld [smem:$0x0];
	_ =	sdelay $0x2  }
0xc7: {  	s31 =	sshll.u32 s1, $0xD;
	s1 =	sshrl.u32 s1, $0x2  }
0xc8: {  	s4 =	sand.u32 $0x4000, s31;
	s1 =	sadd.s32 s1, s30  }
0xc9: {  	s0 =	sor.u32 s4, s0;
	s1 =	sshll.u32 s1, $0x11  }
0xca: {  	s0 =	sor.u32 s1, s0  }
0xcb: {  	s0 =	sadd.s32 $0x8F2B, s0  }
0xcc: {  	[sflag:s0] =	ssyncadd.remote.s32 $0x1  }
0xcd: {  	_ =	sfence.sel $0xFFFF  }
0xce: {  	[dreg:$0x0] =	wrdreg $0xFFFFFFFF;
	(pc) =	sbr.abs _section_cstart, $3  }
0xcf: {  	[dreg:$0x1] =	wrdreg $0xFFFFFFFF  }
0xd0: {  	_ =	task.clear_ibuf [dreg:s22], $0x2FFFF;
	_ =	strace $0x9FFFFFFF  }
0xd1: {  	(tm) =	ssettm $0x7FFFFFFF  }
tec
execute0_lowered:
.L_overlay_start_1:
0x0: {  	(tag) =	ssettag $0x1  }
0x1: {  	s1 =	rddreg [dreg:$0x0]  }
0x2: {  	s0 =	rddreg [dreg:$0x1]  }
0x3: {  	s2 =	srdreg.scid;
	s17 =	stileid.u32  }
0x4: {  	s3 =	simm.s32 $0x0;
	s24 =	simm.s32 $0xA00;
	s25 =	simm.s32 $0x1200  }
0x5: {  	s26 =	simm.s32 $0x1A00;
	s11 =	simm.s32 $0x2A00;
	s12 =	simm.s32 $0x3200  }
0x6: {  	s13 =	simm.s32 $0x3A00;
	s14 =	simm.s32 $0x4200;
	s15 =	simm.s32 $0x4A00  }
0x7: {  	s16 =	simm.s32 $0x5200;
	s28 =	simm.s32 $0xAA00;
	s29 =	simm.s32 $0xB200  }
0x8: {  	s30 =	simm.s32 $0xBA00;
	s31 =	simm.s32 $0x1;
	s4 =	sand.u32 $0x1, s2  }
0x9: {  	s5 =	sshll.u32 s17, $0x4;
	[smem:$0x7FF] =	sst s3;
	s20 =	sshll.u32 s17, $0x7  }
0xa: {  	s17 =	simm.s32 $0x5A00;
	_ =	strace $0x8000004A;
	[dreg:$0x7] =	wrdreg s24  }
0xb: {  	s6 =	sshll.u32 s4, $0x3;
	s7 =	sshll.u32 s4, $0x6;
	[dreg:$0x8] =	wrdreg s25  }
0xc: {  	s8 =	ssub.s32 $0x2, s4;
	[dreg:$0x9] =	wrdreg s26;
	s24 =	simm.s32 $0x9200  }
0xd: {  	s25 =	simm.s32 $0x9A00;
	s26 =	simm.s32 $0xA200;
	s5 =	sor.u32 s6, s5  }
0xe: {  	s18 =	sadd.s32 s7, s0;
	s0 =	sadd.s32 $0x4600, s0;
	s19 =	smul.u32 $0x300, s5  }
0xf: {  	s9 =	sshrl.u32 s8, $0x1;
	s5 =	smul.u32 $0x1800, s5;
	s4 =	sadd.s32 s20, s18  }
0x10: {  	s22 =	ssub.s32 s8, s9;
	s8 =	simm.s32 $0x3;
	s9 =	simm.s32 $0x200  }
0x11: {  	s18 =	simm.s32 $0x6200;
	s20 =	simm.s32 $0x7200;
	s6 =	sadd.s32 $0x2E00, s4  }
0x12: {  	s7 =	smax.u32 s22, $0x1;
	s22 =	simm.s32 $0x8200;
	s4 =	sadd.s32 s0, s19  }
0x13: {  	s5 =	sshrl.u32 s5, $0x3;
	[dreg:$0x3] =	wrdreg s6;
	s6 =	sadd.s32 $0x200, s1  }
0x14: {  	s19 =	simm.s32 $0x6A00;
	s21 =	sadd.s32 $0x600, s4;
	s0 =	sadd.s32 s0, s5  }
0x15: {  	v2 =	vlaneseq.u32;
	s5 =	sadd.s32 $0x100, s1;
	[dreg:$0x4] =	wrdreg s21;
	s23 =	sadd.s32 $0xC00, s0  }
0x16: {  	vm0 =	vmmov $0xffff;
	v1 =	vshrl.u32 v2, $0x3;
	s0 =	sadd.s32 $0x1200, s0;
	s21 =	simm.s32 $0x7A00;
	[dreg:$0x5] =	wrdreg s23  }
0x17: {  	v0 =	vand.u32 $0x7, v2;
	v2 =	vor.u32 $0x8, v2;
	v1 =	vmul.u32 $0x8, v1;
	[dreg:$0x6] =	wrdreg s0;
	s23 =	simm.s32 $0x8A00;
	s0 =	simm.s32 $0x2  }
.LBB2_1:
0x18: {  	s2 =	rddreg [dreg:$0x3]  }
0x19: {  	[tilespmem:s3], [sflag:$0x3] =	stream.linear.gather [hbm4b:s2+s3], $0x200, $0x38;
	[tilespmem:$0xC200] =	vst v63  }
0x1a: {  	_ =	swait.ge [sflag:s8], $0x200  }
0x1b: {  	[sflag:s8] =	ssyncset.done $0x0  }
0x1c: {  	[sflag:s8] =	ssyncadd.s32 $0xFFFFFE00  }
0x1d: {  	v3 =	vld [tilespmem:$0x0];
	_ =	sdelay $0x4  }
0x1e: {  	v4 =	vshrl.u32 v3, $0x3  }
0x1f: {  	v4 =	vmul.u32 $0x30, v4  }
0x20: {  	v3 =	vand.u32 $0x7, v3  }
0x21: {  	v3 =	vor.u32 v3, v4  }
0x22: {  	v4 =	vperm.xlane v3, v0;
	_ =	sdelay $0x1  }
0x23: {  	v4 =	vadd.s32 v1, v4;
	_ =	sdelay $0x3  }
0x24: {  	v3 =	vperm.xlane v3, v2  }
0x25: {  	[tilespmem:s9], [sflag:$0x1] =	stream.indirect_vreg.gather [hbm4b:s1+s3], $0x80, v4, vm0, $0xb8;
	[tilespmem:$0xC200] =	vst v63  }
0x26: {  	s2 =	rddreg [dreg:$0x7];
	v3 =	vadd.s32 v1, v3  }
0x27: {  	[tilespmem:s2], [sflag:$0x1] =	stream.indirect_vreg.gather [hbm4b:s5+s3], $0x80, v4, vm0, $0xb8;
	[tilespmem:$0xC200] =	vst v63  }
0x28: {  	s10 =	rddreg [dreg:$0x8]  }
0x29: {  	[tilespmem:s10], [sflag:$0x1] =	stream.indirect_vreg.gather [hbm4b:s6+s3], $0x80, v4, vm0, $0xb8;
	[tilespmem:$0xC200] =	vst v63  }
0x2a: {  	s2 =	rddreg [dreg:$0x9]  }
0x2b: {  	[tilespmem:s2], [sflag:$0x1] =	stream.indirect_vreg.gather [hbm4b:s1+s3], $0x80, v3, vm0, $0xb8;
	[tilespmem:$0xC200] =	vst v63  }
0x2c: {  	s10 =	simm.s32 $0x2200  }
0x2d: {  	[tilespmem:s10], [sflag:$0x1] =	stream.indirect_vreg.gather [hbm4b:s5+s3], $0x80, v3, vm0, $0xb8;
	[tilespmem:$0xC200] =	vst v63  }
0x2e: {  	_ = 	snop  }
0x2f: {  	[tilespmem:s11], [sflag:$0x1] =	stream.indirect_vreg.gather [hbm4b:s6+s3], $0x80, v3, vm0, $0xb8;
	[tilespmem:$0xC200] =	vst v63  }
0x30: {  	v3 =	vld [tilespmem:$0x80];
	_ =	sdelay $0x4  }
0x31: {  	v61 =	vshrl.u32 v3, $0x3  }
0x32: {  	v4 =	vmul.u32 $0x30, v61  }
0x33: {  	v3 =	vand.u32 $0x7, v3  }
0x34: {  	v3 =	vor.u32 v3, v4  }
0x35: {  	v4 =	vperm.xlane v3, v0;
	_ =	sdelay $0x1  }
0x36: {  	v4 =	vadd.s32 v1, v4;
	_ =	sdelay $0x3  }
0x37: {  	v3 =	vperm.xlane v3, v2  }
0x38: {  	[tilespmem:s12], [sflag:$0x1] =	stream.indirect_vreg.gather [hbm4b:s1+s3], $0x80, v4, vm0, $0xb8;
	[tilespmem:$0xC200] =	vst v63  }
0x39: {  	v3 =	vadd.s32 v1, v3  }
0x3a: {  	[tilespmem:s13], [sflag:$0x1] =	stream.indirect_vreg.gather [hbm4b:s5+s3], $0x80, v4, vm0, $0xb8;
	[tilespmem:$0xC200] =	vst v63  }
0x3b: {  	_ = 	snop  }
0x3c: {  	[tilespmem:s14], [sflag:$0x1] =	stream.indirect_vreg.gather [hbm4b:s6+s3], $0x80, v4, vm0, $0xb8;
	[tilespmem:$0xC200] =	vst v63  }
0x3d: {  	_ = 	snop  }
0x3e: {  	[tilespmem:s15], [sflag:$0x1] =	stream.indirect_vreg.gather [hbm4b:s1+s3], $0x80, v3, vm0, $0xb8;
	[tilespmem:$0xC200] =	vst v63  }
0x3f: {  	_ = 	snop  }
0x40: {  	[tilespmem:s16], [sflag:$0x1] =	stream.indirect_vreg.gather [hbm4b:s5+s3], $0x80, v3, vm0, $0xb8;
	[tilespmem:$0xC200] =	vst v63  }
0x41: {  	_ = 	snop  }
0x42: {  	[tilespmem:s17], [sflag:$0x1] =	stream.indirect_vreg.gather [hbm4b:s6+s3], $0x80, v3, vm0, $0xb8;
	[tilespmem:$0xC200] =	vst v63  }
0x43: {  	v3 =	vld [tilespmem:$0x100];
	_ =	sdelay $0x4  }
0x44: {  	v62 =	vshrl.u32 v3, $0x3  }
0x45: {  	v4 =	vmul.u32 $0x30, v62  }
0x46: {  	v3 =	vand.u32 $0x7, v3  }
0x47: {  	v3 =	vor.u32 v3, v4  }
0x48: {  	v4 =	vperm.xlane v3, v0;
	_ =	sdelay $0x1  }
0x49: {  	v4 =	vadd.s32 v1, v4;
	_ =	sdelay $0x3  }
0x4a: {  	v3 =	vperm.xlane v3, v2  }
0x4b: {  	[tilespmem:s18], [sflag:$0x1] =	stream.indirect_vreg.gather [hbm4b:s1+s3], $0x80, v4, vm0, $0xb8;
	[tilespmem:$0xC200] =	vst v63  }
0x4c: {  	v3 =	vadd.s32 v1, v3  }
0x4d: {  	[tilespmem:s19], [sflag:$0x1] =	stream.indirect_vreg.gather [hbm4b:s5+s3], $0x80, v4, vm0, $0xb8;
	[tilespmem:$0xC200] =	vst v63  }
0x4e: {  	_ = 	snop  }
0x4f: {  	[tilespmem:s20], [sflag:$0x1] =	stream.indirect_vreg.gather [hbm4b:s6+s3], $0x80, v4, vm0, $0xb8;
	[tilespmem:$0xC200] =	vst v63  }
0x50: {  	_ = 	snop  }
0x51: {  	[tilespmem:s21], [sflag:$0x1] =	stream.indirect_vreg.gather [hbm4b:s1+s3], $0x80, v3, vm0, $0xb8;
	[tilespmem:$0xC200] =	vst v63  }
0x52: {  	_ = 	snop  }
0x53: {  	[tilespmem:s22], [sflag:$0x1] =	stream.indirect_vreg.gather [hbm4b:s5+s3], $0x80, v3, vm0, $0xb8;
	[tilespmem:$0xC200] =	vst v63  }
0x54: {  	_ = 	snop  }
0x55: {  	[tilespmem:s23], [sflag:$0x1] =	stream.indirect_vreg.gather [hbm4b:s6+s3], $0x80, v3, vm0, $0xb8;
	[tilespmem:$0xC200] =	vst v63  }
0x56: {  	v3 =	vld [tilespmem:$0x180];
	_ =	sdelay $0x4  }
0x57: {  	v63 =	vshrl.u32 v3, $0x3  }
0x58: {  	v4 =	vmul.u32 $0x30, v63  }
0x59: {  	v3 =	vand.u32 $0x7, v3  }
0x5a: {  	v3 =	vor.u32 v3, v4  }
0x5b: {  	v4 =	vperm.xlane v3, v0;
	_ =	sdelay $0x1  }
0x5c: {  	v4 =	vadd.s32 v1, v4;
	_ =	sdelay $0x3  }
0x5d: {  	v3 =	vperm.xlane v3, v2  }
0x5e: {  	[tilespmem:s24], [sflag:$0x1] =	stream.indirect_vreg.gather [hbm4b:s1+s3], $0x80, v4, vm0, $0xb8;
	[tilespmem:$0xC200] =	vst v63  }
0x5f: {  	v3 =	vadd.s32 v1, v3  }
0x60: {  	[tilespmem:s25], [sflag:$0x1] =	stream.indirect_vreg.gather [hbm4b:s5+s3], $0x80, v4, vm0, $0xb8;
	[tilespmem:$0xC200] =	vst v63  }
0x61: {  	_ = 	snop  }
0x62: {  	[tilespmem:s26], [sflag:$0x1] =	stream.indirect_vreg.gather [hbm4b:s6+s3], $0x80, v4, vm0, $0xb8;
	[tilespmem:$0xC200] =	vst v63  }
0x63: {  	_ = 	snop  }
0x64: {  	[tilespmem:s28], [sflag:$0x1] =	stream.indirect_vreg.gather [hbm4b:s1+s3], $0x80, v3, vm0, $0xb8;
	[tilespmem:$0xC200] =	vst v63  }
0x65: {  	_ = 	snop  }
0x66: {  	[tilespmem:s29], [sflag:$0x1] =	stream.indirect_vreg.gather [hbm4b:s5+s3], $0x80, v3, vm0, $0xb8;
	[tilespmem:$0xC200] =	vst v63  }
0x67: {  	_ = 	snop  }
0x68: {  	[tilespmem:s30], [sflag:$0x1] =	stream.indirect_vreg.gather [hbm4b:s6+s3], $0x80, v3, vm0, $0xb8;
	[tilespmem:$0xC200] =	vst v63  }
0x69: {  	_ =	swait.ge [sflag:s31], $0x3000  }
0x6a: {  	[sflag:s31] =	ssyncset.done $0x0  }
0x6b: {  	[sflag:s31] =	ssyncadd.s32 $0xFFFFD000  }
0x6c: {  	[hbm4b:s4+s3] =	stream.linear.scatter [tilespmem:s9], [sflag:$0x2], $0x3000, $0x38;
	[tilespmem:$0xC200] =	vst v63  }
0x6d: {  	_ =	swait.ge [sflag:s31], $0x3000  }
0x6e: {  	[sflag:s31] =	ssyncset.done $0x0  }
0x6f: {  	s10 =	rddreg [dreg:$0x4];
	[sflag:s31] =	ssyncadd.s32 $0xFFFFD000  }
0x70: {  	[hbm4b:s10+s3] =	stream.linear.scatter [tilespmem:s12], [sflag:$0x2], $0x3000, $0x38;
	[tilespmem:$0xC200] =	vst v63  }
0x71: {  	_ =	swait.ge [sflag:s31], $0x3000  }
0x72: {  	[sflag:s31] =	ssyncset.done $0x0  }
0x73: {  	s10 =	rddreg [dreg:$0x5];
	[sflag:s31] =	ssyncadd.s32 $0xFFFFD000  }
0x74: {  	[hbm4b:s10+s3] =	stream.linear.scatter [tilespmem:s18], [sflag:$0x2], $0x3000, $0x38;
	[tilespmem:$0xC200] =	vst v63  }
0x75: {  	_ =	swait.ge [sflag:s31], $0x3000  }
0x76: {  	[sflag:s31] =	ssyncset.done $0x0  }
0x77: {  	s10 =	rddreg [dreg:$0x6];
	[sflag:s31] =	ssyncadd.s32 $0xFFFFD000  }
0x78: {  	[hbm4b:s10+s3] =	stream.linear.scatter [tilespmem:s24], [sflag:$0x2], $0x3000, $0x38;
	[tilespmem:$0xC200] =	vst v63  }
0x79: {  	_ =	swait.ge [sflag:s0], $0x3000  }
0x7a: {  	[sflag:s0] =	ssyncset.done $0x0  }
0x7b: {  	[sflag:s0] =	ssyncadd.s32 $0xFFFFD000  }
0x7c: {  	_ =	swait.ge [sflag:s0], $0x3000  }
0x7d: {  	[sflag:s0] =	ssyncset.done $0x0  }
0x7e: {  	[sflag:s0] =	ssyncadd.s32 $0xFFFFD000  }
0x7f: {  	p0 =	sne.s32 s7, $0x1;
	_ =	swait.ge [sflag:s0], $0x3000  }
.Ltmp0:
0x80: {  	[sflag:s0] =	ssyncset.done $0x0;
	(pc) =	sbr.rel @p0 .LBB2_1-.Ltmp0, $4  }
0x81: {  	[sflag:s0] =	ssyncadd.s32 $0xFFFFD000  }
0x82: {  	_ =	swait.ge [sflag:s0], $0x3000  }
0x83: {  	[sflag:s0] =	ssyncset.done $0x0  }
0x84: {  	s7 =	sadd.s32 $0xFFFFFFFF, s7;
	[sflag:s0] =	ssyncadd.s32 $0xFFFFD000  }
0x85: {  	_ =	sfence.sel $0x180000  }
0x86: {  	[bflag:$0x0] =	sbarrier.arrive $0xFFFF  }
0x87: {  	_ =	strace $0x9000004A  }
0x88: {  	s0 =	stileid.u32;
	[bflag:$0x2] =	sbarrier.arrive $0xFFFF  }
0x89: {  	p0 =	sne.s32 s0, $0x0;
	s0 =	rddreg [dreg:$0x2]  }
0x8a: {  	s0 =	sadd.s32 @!p0 $0x100000, s0  }
0x8b: {  	[sflag:s0] =	ssyncadd.tile.s32 @!p0 $0x1;
	_ =	shalt  }
.Lfunc_end2:
_tile_overlayer_lowered:
.L_overlay_start_2:
0x8c: {  	(tag) =	ssettag $0x2  }
0x8d: {  	s0 =	rddreg [dreg:$0x0];
	s2 =	stileid.u32  }
0x8e: {  	s1 =	rddreg [dreg:$0x1];
	p0 =	sne.s32 s2, $0x0  }
0x8f: {  	s3 =	rddreg [dreg:$0x2];
	[bflag:$0x3] =	sbarrier.arrive $0xFFFF;
	s2 =	simm.s32 @!p0 $0x1C03  }
0x90: {  	[timem:s3], [sflag:s2] =	dma.local @!p0 [hbm:s0], s1  }
0x91: {  	s0 =	simm.s32 @!p0 $0x3  }
0x92: {  	_ =	swait.ge @!p0 [sflag:s0], s1  }
0x93: {  	s1 =	ssub.s32 @!p0 $0x0, s1;
	[sflag:s0] =	ssyncset.done @!p0 $0x0  }
0x94: {  	[sflag:s0] =	ssyncadd.s32 @!p0 s1  }
0x95: {  	[bflag:$0x3] =	sbarrier.arrive $0xFFFF  }
0x96: {  	_ =	shalt  }

// kernel: kernel.16.cloned.1.call-start
scs
__scs_entry_jumppad:
0x0: {  	(pc) =	sbr.rel $0x88, $3  }
0x1: {  	(tag) =	ssettag $0x0;
	lr =	simm.s32 $0x1  }
0x2: {  	[smem:$0x3F9A] =	sst lr;
	_ =	strace $0xD0000000  }
0x3: {  	_ = 	snop  }
0x4: {  	_ = 	snop  }
0x5: {  	_ = 	snop  }
0x6: {  	_ = 	snop  }
0x7: {  	_ = 	snop  }
__scs_overlays_trampoline_lowered:
0x8: {  	[smem:$0x3FA9] =	sst s0  }
0x9: {  	[smem:$0x3FAA] =	sst s1  }
0xa: {  	[smem:$0x3FAB] =	sst s2  }
0xb: {  	[smem:$0x3FAC] =	sst s3  }
0xc: {  	[smem:$0x3FAD] =	sst s4  }
0xd: {  	[smem:$0x3FAE] =	sst s5  }
0xe: {  	[smem:$0x3FAF] =	sst s6  }
0xf: {  	[smem:$0x3FB0] =	sst s7  }
0x10: {  	[smem:$0x3FB1] =	sst s8  }
0x11: {  	[smem:$0x3FB2] =	sst s9;
	s0 =	simm.s32 @!p0 $0x0  }
0x12: {  	s1 =	sld [smem:$0x3F98];
	s0 =	simm.s32 @p0 $0x1  }
0x13: {  	[smem:$0x3FB3] =	sst s0;
	s0 =	simm.s32 @!p1 $0x0  }
0x14: {  	s2 =	sld [smem:$0x3F97];
	s0 =	simm.s32 @p1 $0x1  }
0x15: {  	[smem:$0x3FB4] =	sst s0;
	s0 =	simm.s32 @!p2 $0x0  }
0x16: {  	s3 =	sld [smem:$0x3FDB];
	s0 =	simm.s32 @p2 $0x1  }
0x17: {  	s4 =	simm.s32 $0x1BF5;
	[smem:$0x3FB6] =	sst s0  }
0x18: {  	s0 =	sld [smem:$0x3F99];
	_ =	swait.ge [sflag:s4], $0x0  }
0x19: {  	s7 =	sld [smem:$0x3F9A]  }
0x1a: {  	s8 =	sadd.s32 $0xFFFFE003, lr  }
0x1b: {  	s9 =	sadd.s32 $0xFFFFFEF7, lr;
	s5 =	simm.s32 $0xFFFFFFFF;
	p2 =	slt.u32 s8, $0xFFFFF086  }
0x1c: {  	p1 =	slt.u32 s9, $0xF7A;
	s5 =	simm.s32 @!p2 $0x0  }
0x1d: {  	s5 =	simm.s32 @p1 $0x1;
	p0 =	seq.s32 s7, s2  }
0x1e: {  	s7 =	smul.u32 @!p0 $0xF7A, s2;
	p2 =	seq.s32 @!p0 s5, $0x0  }
0x1f: {  	s9 =	smul.u32 $0xF7A, s1;
	s8 =	simm.s32 @!p0 $0x1BF5;
	p2 =	por !p2, p0  }
0x20: {  	[sflag:s8] =	ssyncset.s32 @!p0 $0xFFFFF086;
	s6 =	sadd.s32 @!p0 s3, s7;
	s7 =	simm.s32 @!p0 $0x108  }
0x21: {  	s3 =	sadd.s32 s3, s9;
	s6 =	sadd.s32 @!p0 $0x88, s6;
	s7 =	simm.s32 @p2 $0x1082  }
0x22: {  	[simem:s7], [sflag:s8] =	dma.local @!p0 [hbm:s6], $0xF7A  }
0x23: {  	s9 =	sor.u32 $0xD0000000, s2;
	s6 =	simm.s32 $0x108;
	_ =	swait.ge @!p0 [sflag:s8], $0x0  }
0x24: {  	s3 =	sadd.s32 $0x88, s3;
	s6 =	simm.s32 @!p1 $0x1082;
	[sflag:s4] =	ssyncset.s32 $0xFFFFF086  }
0x25: {  	[simem:s6], [sflag:s4] =	dma.local [hbm:s3], $0xF7A  }
0x26: {  	[smem:$0x3F9A] =	sst s1;
	(tag) =	ssettag s2;
	_ =	strace s9  }
0x27: {  	s1 =	sld [smem:$0x3FAA]  }
0x28: {  	s2 =	sld [smem:$0x3FAB]  }
0x29: {  	s4 =	sld [smem:$0x3FAD]  }
0x2a: {  	p0 =	seq.s32 s5, $0x0;
	s5 =	sld [smem:$0x3FAE]  }
0x2b: {  	s6 =	sld [smem:$0x3FAF]  }
0x2c: {  	s7 =	sld [smem:$0x3FB0]  }
0x2d: {  	s3 =	simm.s32 $0x108;
	s8 =	sld [smem:$0x3FB1]  }
0x2e: {  	s3 =	simm.s32 @!p0 $0x1082;
	s9 =	sld [smem:$0x3FB2]  }
0x2f: {  	lr =	sadd.s32 s0, s3;
	s0 =	sld [smem:$0x3FA9]  }
0x30: {  	s3 =	sld [smem:$0x3FAC]  }
0x31: {  	[smem:$0x3FB5] =	sst s10  }
0x32: {  	s10 =	sld [smem:$0x3FB3];
	_ =	sdelay $0x3  }
0x33: {  	p0 =	seq.s32 s10, $0x1;
	s10 =	sld [smem:$0x3FB5];
	_ =	sdelay $0x3  }
0x34: {  	[smem:$0x3FB5] =	sst s10  }
0x35: {  	s10 =	sld [smem:$0x3FB4];
	_ =	sdelay $0x3  }
0x36: {  	p1 =	seq.s32 s10, $0x1;
	s10 =	sld [smem:$0x3FB5];
	_ =	sdelay $0x3  }
0x37: {  	[smem:$0x3FB5] =	sst s10  }
0x38: {  	s10 =	sld [smem:$0x3FB6]  }
0x39: {  	_ = 	snop;
	(pc) =	sbr.ind lr, $3  }
0x3a: {  	_ = 	snop  }
0x3b: {  	_ = 	snop  }
0x3c: {  	p2 =	seq.s32 s10, $0x1;
	s10 =	sld [smem:$0x3FB5]  }
0x3d: {  	_ =	shalt  }
0x3e: {  	_ =	shalt  }
0x3f: {  	_ =	shalt  }
0x40: {  	_ =	shalt  }
0x41: {  	_ =	shalt  }
0x42: {  	_ =	shalt  }
0x43: {  	_ =	shalt  }
0x44: {  	_ =	shalt  }
0x45: {  	_ =	shalt  }
0x46: {  	_ =	shalt  }
0x47: {  	_ =	shalt  }
0x48: {  	_ =	shalt  }
0x49: {  	_ =	shalt  }
0x4a: {  	_ =	shalt  }
0x4b: {  	_ =	shalt  }
0x4c: {  	_ =	shalt  }
0x4d: {  	_ =	shalt  }
0x4e: {  	_ =	shalt  }
0x4f: {  	_ =	shalt  }
0x50: {  	_ =	shalt  }
0x51: {  	_ =	shalt  }
0x52: {  	_ =	shalt  }
0x53: {  	_ =	shalt  }
0x54: {  	_ =	shalt  }
0x55: {  	_ =	shalt  }
0x56: {  	_ =	shalt  }
0x57: {  	_ =	shalt  }
0x58: {  	_ =	shalt  }
0x59: {  	_ =	shalt  }
0x5a: {  	_ =	shalt  }
0x5b: {  	_ =	shalt  }
0x5c: {  	_ =	shalt  }
0x5d: {  	_ =	shalt  }
0x5e: {  	_ =	shalt  }
0x5f: {  	_ =	shalt  }
0x60: {  	_ =	shalt  }
0x61: {  	_ =	shalt  }
0x62: {  	_ =	shalt  }
0x63: {  	_ =	shalt  }
0x64: {  	_ =	shalt  }
0x65: {  	_ =	shalt  }
0x66: {  	_ =	shalt  }
0x67: {  	_ =	shalt  }
0x68: {  	_ =	shalt  }
0x69: {  	_ =	shalt  }
0x6a: {  	_ =	shalt  }
0x6b: {  	_ =	shalt  }
0x6c: {  	_ =	shalt  }
0x6d: {  	_ =	shalt  }
0x6e: {  	_ =	shalt  }
0x6f: {  	_ =	shalt  }
0x70: {  	_ =	shalt  }
0x71: {  	_ =	shalt  }
0x72: {  	_ =	shalt  }
0x73: {  	_ =	shalt  }
0x74: {  	_ =	shalt  }
0x75: {  	_ =	shalt  }
0x76: {  	_ =	shalt  }
0x77: {  	_ =	shalt  }
0x78: {  	_ =	shalt  }
0x79: {  	_ =	shalt  }
0x7a: {  	_ =	shalt  }
0x7b: {  	_ =	shalt  }
0x7c: {  	_ =	shalt  }
0x7d: {  	_ =	shalt  }
0x7e: {  	_ =	shalt  }
0x7f: {  	_ =	shalt  }
0x80: {  	_ =	shalt  }
0x81: {  	_ =	shalt  }
0x82: {  	_ =	shalt  }
0x83: {  	_ =	shalt  }
0x84: {  	_ =	shalt  }
0x85: {  	_ =	shalt  }
0x86: {  	_ =	shalt  }
0x87: {  	_ =	shalt  }
.Lfunc_end0:
.L_simem_size_0:
called_computation.2_lowered:
.L_overlay_start_0:
0x88: {  	s2 =	sld [smem:$0x3FD9]  }
0x89: {  	s3 =	sld [smem:$0x3FFE];
	_ =	sdelay $0x1  }
0x8a: {  	s1 =	srdreg.scid  }
0x8b: {  	s0 =	sand.u32 $0x1, s1  }
0x8c: {  	s17 =	sshll.u32 s0, $0xA;
	s2 =	sadd.s32 s3, s2  }
0x8d: {  	s2 =	sadd.s32 s2, s17  }
0x8e: {  	[smem:$0x3FC1] =	sst s2  }
0x8f: {  	_ = 	snop  }
0x90: {  	s18 =	sld [smem:$0x3FC7];
	(tm) =	ssettm $0x1  }
0x91: {  	s19 =	sld [smem:$0x3FFB];
	_ =	sdelay $0x3  }
0x92: {  	_ =	strace s19  }
0x93: {  	s2 =	sld [smem:$0x3FFC];
	_ =	sdelay $0x3  }
0x94: {  	_ =	strace s2  }
0x95: {  	s2 =	sld [smem:$0x3FFD];
	_ =	sdelay $0x3  }
0x96: {  	_ =	strace s2  }
0x97: {  	_ =	strace $0x8FFFFFFF  }
0x98: {  	s20 =	sld [smem:$0x3FDB];
	_ =	sdelay $0x1  }
0x99: {  	s4 =	simm.s32 $_scs_section_size  }
0x9a: {  	s5 =	simm.s32 $_size__tile_overlayer_lowered;
	s6 =	simm.s32 $_tile_overlayer_lowered  }
0x9b: {  	s7 =	simm.s32 $0x1BFF;
	s21 =	sshll.u32 s6, $0x1;
	s4 =	sadd.s32 s4, s20  }
0x9c: {  	s22 =	simm.s32 $0x0;
	s5 =	sshll.u32 s5, $0x1;
	s6 =	sadd.s32 s21, s4  }
0x9d: {  	[timem:s22], [sflag:s7] =	dma.local [hbm:s6], s5  }
0x9e: {  	_ =	swait.ge [sflag:s7], s5  }
0x9f: {  	s5 =	ssub.s32 $0x0, s5;
	[sflag:s7] =	ssyncset.done $0x0  }
0xa0: {  	[sflag:s7] =	ssyncadd.s32 s5;
	_ =	sdelay $0x1  }
0xa1: {  	s23 =	simm.s32 $0x1B8B  }
0xa2: {  	_ =	swait.ge [sflag:s23], $0x1  }
0xa3: {  	[sflag:s23] =	ssyncset.done $0x0  }
0xa4: {  	[sflag:s23] =	ssyncadd.s32 $0xFFFFFFFF  }
0xa5: {  	s5 =	sld [smem:$0x0]  }
0xa6: {  	s6 =	sand.u32 $0xFFFFFFFE, s1  }
0xa7: {  	p0 =	sne.s32 s1, s6  }
0xa8: {  	s6 =	sshll.u32 @p0 s6, $0xE  }
0xa9: {  	s6 =	sadd.s32 @p0 $0x11B8D, s6;
	s7 =	sshll.u32 @p0 s5, $0x11  }
0xaa: {  	s6 =	sor.u32 @p0 s7, s6  }
0xab: {  	[sflag:s6] =	ssyncadd.remote.s32 @p0 $0x1;
	_ =	sdelay $0x1  }
0xac: {  	s6 =	simm.s32 @p0 $0x1B8D  }
0xad: {  	_ =	swait.eq @p0 [sflag:s6], $0x1  }
0xae: {  	[sflag:s6] =	ssyncadd.s32 @p0 $0xFFFFFFFF  }
0xaf: {  	s7 =	sshll.u32 @!p0 s1, $0xE  }
0xb0: {  	s7 =	sor.u32 @!p0 $0x4000, s7;
	s6 =	simm.s32 @!p0 $0x1B8D  }
0xb1: {  	s5 =	sshll.u32 @!p0 s5, $0x11;
	s7 =	sadd.s32 @!p0 $0x11B8D, s7;
	_ =	swait.eq @!p0 [sflag:s6], $0x1  }
0xb2: {  	s5 =	sor.u32 @!p0 s5, s7;
	[sflag:s6] =	ssyncadd.s32 @!p0 $0xFFFFFFFF  }
0xb3: {  	s25 =	simm.s32 $0x1B8E;
	s24 =	sld [smem:$0x3FFE];
	[sflag:s5] =	ssyncadd.remote.s32 @!p0 $0x1  }
0xb4: {  	s26 =	simm.s32 $execute0_lowered;
	[smem:$0x3FD2] =	sst s25  }
0xb5: {  	s6 =	sshll.u32 s26, $0x1;
	_ =	strace $0x8000004C;
	[dreg:$0x1] =	wrdreg $0xFFFFFFFF  }
0xb6: {  	s28 =	simm.s32 $_size_execute0_lowered;
	s4 =	sadd.s32 s4, s6;
	[dreg:$0x0] =	wrdreg $0x0  }
0xb7: {  	s6 =	sshll.u32 s28, $0x1;
	[dreg:$0x2] =	wrdreg s4  }
0xb8: {  	[dreg:$0x3] =	wrdreg s6  }
0xb9: {  	[dreg:$0x4] =	wrdreg $0xC0  }
0xba: {  	_ =	task [dreg:s22], $0x5FFFF  }
0xbb: {  	[dreg:$0x1] =	wrdreg $0xFFFFFFFF  }
0xbc: {  	[dreg:$0x0] =	wrdreg $0x60  }
0xbd: {  	[dreg:$0x2] =	wrdreg s18  }
0xbe: {  	[dreg:$0x3] =	wrdreg s24  }
0xbf: {  	[dreg:$0x4] =	wrdreg $0xB  }
0xc0: {  	_ =	task.clear_ibuf [dreg:s22], $0x5FFFF;
	_ =	strace $0x9000004C  }
0xc1: {  	s29 =	simm.s32 $0xB;
	_ =	strace $0x8000004E  }
0xc2: {  	_ =	swait.ge [sflag:s29], $0x1  }
0xc3: {  	[sflag:s29] =	ssyncadd.s32 $0xFFFFFFFF  }
0xc4: {  	_ =	strace $0x9000004E  }
0xc5: {  	_ =	sfence  }
0xc6: {  	s30 =	sld [smem:$0x0];
	_ =	sdelay $0x2  }
0xc7: {  	s31 =	sshll.u32 s1, $0xD;
	s1 =	sshrl.u32 s1, $0x2  }
0xc8: {  	s4 =	sand.u32 $0x4000, s31;
	s1 =	sadd.s32 s1, s30  }
0xc9: {  	s0 =	sor.u32 s4, s0;
	s1 =	sshll.u32 s1, $0x11  }
0xca: {  	s0 =	sor.u32 s1, s0  }
0xcb: {  	s0 =	sadd.s32 $0x8F2B, s0  }
0xcc: {  	[sflag:s0] =	ssyncadd.remote.s32 $0x1  }
0xcd: {  	_ =	sfence.sel $0xFFFF  }
0xce: {  	[dreg:$0x0] =	wrdreg $0xFFFFFFFF;
	(pc) =	sbr.abs _section_cstart, $3  }
0xcf: {  	[dreg:$0x1] =	wrdreg $0xFFFFFFFF  }
0xd0: {  	_ =	task.clear_ibuf [dreg:s22], $0x2FFFF;
	_ =	strace $0x9FFFFFFF  }
0xd1: {  	(tm) =	ssettm $0x7FFFFFFF  }
tec
execute0_lowered:
.L_overlay_start_1:
0x0: {  	(tag) =	ssettag $0x1  }
0x1: {  	s1 =	rddreg [dreg:$0x0]  }
0x2: {  	s0 =	rddreg [dreg:$0x1]  }
0x3: {  	s2 =	srdreg.scid;
	s17 =	stileid.u32  }
0x4: {  	s3 =	simm.s32 $0x0;
	s24 =	simm.s32 $0xA00;
	s25 =	simm.s32 $0x1200  }
0x5: {  	s26 =	simm.s32 $0x1A00;
	s11 =	simm.s32 $0x2A00;
	s12 =	simm.s32 $0x3200  }
0x6: {  	s13 =	simm.s32 $0x3A00;
	s14 =	simm.s32 $0x4200;
	s15 =	simm.s32 $0x4A00  }
0x7: {  	s16 =	simm.s32 $0x5200;
	s28 =	simm.s32 $0xAA00;
	s29 =	simm.s32 $0xB200  }
0x8: {  	s30 =	simm.s32 $0xBA00;
	s31 =	simm.s32 $0x1;
	s4 =	sand.u32 $0x1, s2  }
0x9: {  	s5 =	sshll.u32 s17, $0x4;
	[smem:$0x7FF] =	sst s3;
	s20 =	sshll.u32 s17, $0x7  }
0xa: {  	s17 =	simm.s32 $0x5A00;
	_ =	strace $0x8000004D;
	[dreg:$0x7] =	wrdreg s24  }
0xb: {  	s6 =	sshll.u32 s4, $0x3;
	s7 =	sshll.u32 s4, $0x6;
	[dreg:$0x8] =	wrdreg s25  }
0xc: {  	s8 =	ssub.s32 $0x2, s4;
	[dreg:$0x9] =	wrdreg s26;
	s24 =	simm.s32 $0x9200  }
0xd: {  	s25 =	simm.s32 $0x9A00;
	s26 =	simm.s32 $0xA200;
	s5 =	sor.u32 s6, s5  }
0xe: {  	s18 =	sadd.s32 s7, s0;
	s0 =	sadd.s32 $0x34600, s0;
	s19 =	smul.u32 $0x300, s5  }
0xf: {  	s9 =	sshrl.u32 s8, $0x1;
	s5 =	smul.u32 $0x1800, s5;
	s4 =	sadd.s32 s20, s18  }
0x10: {  	s22 =	ssub.s32 s8, s9;
	s8 =	simm.s32 $0x3;
	s9 =	simm.s32 $0x200  }
0x11: {  	s18 =	simm.s32 $0x6200;
	s20 =	simm.s32 $0x7200;
	s6 =	sadd.s32 $0x3600, s4  }
0x12: {  	s7 =	smax.u32 s22, $0x1;
	s22 =	simm.s32 $0x8200;
	s4 =	sadd.s32 s0, s19  }
0x13: {  	s5 =	sshrl.u32 s5, $0x3;
	[dreg:$0x3] =	wrdreg s6;
	s6 =	sadd.s32 $0x200, s1  }
0x14: {  	s19 =	simm.s32 $0x6A00;
	s21 =	sadd.s32 $0x600, s4;
	s0 =	sadd.s32 s0, s5  }
0x15: {  	v2 =	vlaneseq.u32;
	s5 =	sadd.s32 $0x100, s1;
	[dreg:$0x4] =	wrdreg s21;
	s23 =	sadd.s32 $0xC00, s0  }
0x16: {  	vm0 =	vmmov $0xffff;
	v1 =	vshrl.u32 v2, $0x3;
	s0 =	sadd.s32 $0x1200, s0;
	s21 =	simm.s32 $0x7A00;
	[dreg:$0x5] =	wrdreg s23  }
0x17: {  	v0 =	vand.u32 $0x7, v2;
	v2 =	vor.u32 $0x8, v2;
	v1 =	vmul.u32 $0x8, v1;
	[dreg:$0x6] =	wrdreg s0;
	s23 =	simm.s32 $0x8A00;
	s0 =	simm.s32 $0x2  }
.LBB2_1:
0x18: {  	s2 =	rddreg [dreg:$0x3]  }
0x19: {  	[tilespmem:s3], [sflag:$0x3] =	stream.linear.gather [hbm4b:s2+s3], $0x200, $0x38;
	[tilespmem:$0xC200] =	vst v63  }
0x1a: {  	_ =	swait.ge [sflag:s8], $0x200  }
0x1b: {  	[sflag:s8] =	ssyncset.done $0x0  }
0x1c: {  	[sflag:s8] =	ssyncadd.s32 $0xFFFFFE00  }
0x1d: {  	v3 =	vld [tilespmem:$0x0];
	_ =	sdelay $0x4  }
0x1e: {  	v4 =	vshrl.u32 v3, $0x3  }
0x1f: {  	v4 =	vmul.u32 $0x30, v4  }
0x20: {  	v3 =	vand.u32 $0x7, v3  }
0x21: {  	v3 =	vor.u32 v3, v4  }
0x22: {  	v4 =	vperm.xlane v3, v0;
	_ =	sdelay $0x1  }
0x23: {  	v4 =	vadd.s32 v1, v4;
	_ =	sdelay $0x3  }
0x24: {  	v3 =	vperm.xlane v3, v2  }
0x25: {  	[tilespmem:s9], [sflag:$0x1] =	stream.indirect_vreg.gather [hbm4b:s1+s3], $0x80, v4, vm0, $0xb8;
	[tilespmem:$0xC200] =	vst v63  }
0x26: {  	s2 =	rddreg [dreg:$0x7];
	v3 =	vadd.s32 v1, v3  }
0x27: {  	[tilespmem:s2], [sflag:$0x1] =	stream.indirect_vreg.gather [hbm4b:s5+s3], $0x80, v4, vm0, $0xb8;
	[tilespmem:$0xC200] =	vst v63  }
0x28: {  	s10 =	rddreg [dreg:$0x8]  }
0x29: {  	[tilespmem:s10], [sflag:$0x1] =	stream.indirect_vreg.gather [hbm4b:s6+s3], $0x80, v4, vm0, $0xb8;
	[tilespmem:$0xC200] =	vst v63  }
0x2a: {  	s2 =	rddreg [dreg:$0x9]  }
0x2b: {  	[tilespmem:s2], [sflag:$0x1] =	stream.indirect_vreg.gather [hbm4b:s1+s3], $0x80, v3, vm0, $0xb8;
	[tilespmem:$0xC200] =	vst v63  }
0x2c: {  	s10 =	simm.s32 $0x2200  }
0x2d: {  	[tilespmem:s10], [sflag:$0x1] =	stream.indirect_vreg.gather [hbm4b:s5+s3], $0x80, v3, vm0, $0xb8;
	[tilespmem:$0xC200] =	vst v63  }
0x2e: {  	_ = 	snop  }
0x2f: {  	[tilespmem:s11], [sflag:$0x1] =	stream.indirect_vreg.gather [hbm4b:s6+s3], $0x80, v3, vm0, $0xb8;
	[tilespmem:$0xC200] =	vst v63  }
0x30: {  	v3 =	vld [tilespmem:$0x80];
	_ =	sdelay $0x4  }
0x31: {  	v61 =	vshrl.u32 v3, $0x3  }
0x32: {  	v4 =	vmul.u32 $0x30, v61  }
0x33: {  	v3 =	vand.u32 $0x7, v3  }
0x34: {  	v3 =	vor.u32 v3, v4  }
0x35: {  	v4 =	vperm.xlane v3, v0;
	_ =	sdelay $0x1  }
0x36: {  	v4 =	vadd.s32 v1, v4;
	_ =	sdelay $0x3  }
0x37: {  	v3 =	vperm.xlane v3, v2  }
0x38: {  	[tilespmem:s12], [sflag:$0x1] =	stream.indirect_vreg.gather [hbm4b:s1+s3], $0x80, v4, vm0, $0xb8;
	[tilespmem:$0xC200] =	vst v63  }
0x39: {  	v3 =	vadd.s32 v1, v3  }
0x3a: {  	[tilespmem:s13], [sflag:$0x1] =	stream.indirect_vreg.gather [hbm4b:s5+s3], $0x80, v4, vm0, $0xb8;
	[tilespmem:$0xC200] =	vst v63  }
0x3b: {  	_ = 	snop  }
0x3c: {  	[tilespmem:s14], [sflag:$0x1] =	stream.indirect_vreg.gather [hbm4b:s6+s3], $0x80, v4, vm0, $0xb8;
	[tilespmem:$0xC200] =	vst v63  }
0x3d: {  	_ = 	snop  }
0x3e: {  	[tilespmem:s15], [sflag:$0x1] =	stream.indirect_vreg.gather [hbm4b:s1+s3], $0x80, v3, vm0, $0xb8;
	[tilespmem:$0xC200] =	vst v63  }
0x3f: {  	_ = 	snop  }
0x40: {  	[tilespmem:s16], [sflag:$0x1] =	stream.indirect_vreg.gather [hbm4b:s5+s3], $0x80, v3, vm0, $0xb8;
	[tilespmem:$0xC200] =	vst v63  }
0x41: {  	_ = 	snop  }
0x42: {  	[tilespmem:s17], [sflag:$0x1] =	stream.indirect_vreg.gather [hbm4b:s6+s3], $0x80, v3, vm0, $0xb8;
	[tilespmem:$0xC200] =	vst v63  }
0x43: {  	v3 =	vld [tilespmem:$0x100];
	_ =	sdelay $0x4  }
0x44: {  	v62 =	vshrl.u32 v3, $0x3  }
0x45: {  	v4 =	vmul.u32 $0x30, v62  }
0x46: {  	v3 =	vand.u32 $0x7, v3  }
0x47: {  	v3 =	vor.u32 v3, v4  }
0x48: {  	v4 =	vperm.xlane v3, v0;
	_ =	sdelay $0x1  }
0x49: {  	v4 =	vadd.s32 v1, v4;
	_ =	sdelay $0x3  }
0x4a: {  	v3 =	vperm.xlane v3, v2  }
0x4b: {  	[tilespmem:s18], [sflag:$0x1] =	stream.indirect_vreg.gather [hbm4b:s1+s3], $0x80, v4, vm0, $0xb8;
	[tilespmem:$0xC200] =	vst v63  }
0x4c: {  	v3 =	vadd.s32 v1, v3  }
0x4d: {  	[tilespmem:s19], [sflag:$0x1] =	stream.indirect_vreg.gather [hbm4b:s5+s3], $0x80, v4, vm0, $0xb8;
	[tilespmem:$0xC200] =	vst v63  }
0x4e: {  	_ = 	snop  }
0x4f: {  	[tilespmem:s20], [sflag:$0x1] =	stream.indirect_vreg.gather [hbm4b:s6+s3], $0x80, v4, vm0, $0xb8;
	[tilespmem:$0xC200] =	vst v63  }
0x50: {  	_ = 	snop  }
0x51: {  	[tilespmem:s21], [sflag:$0x1] =	stream.indirect_vreg.gather [hbm4b:s1+s3], $0x80, v3, vm0, $0xb8;
	[tilespmem:$0xC200] =	vst v63  }
0x52: {  	_ = 	snop  }
0x53: {  	[tilespmem:s22], [sflag:$0x1] =	stream.indirect_vreg.gather [hbm4b:s5+s3], $0x80, v3, vm0, $0xb8;
	[tilespmem:$0xC200] =	vst v63  }
0x54: {  	_ = 	snop  }
0x55: {  	[tilespmem:s23], [sflag:$0x1] =	stream.indirect_vreg.gather [hbm4b:s6+s3], $0x80, v3, vm0, $0xb8;
	[tilespmem:$0xC200] =	vst v63  }
0x56: {  	v3 =	vld [tilespmem:$0x180];
	_ =	sdelay $0x4  }
0x57: {  	v63 =	vshrl.u32 v3, $0x3  }
0x58: {  	v4 =	vmul.u32 $0x30, v63  }
0x59: {  	v3 =	vand.u32 $0x7, v3  }
0x5a: {  	v3 =	vor.u32 v3, v4  }
0x5b: {  	v4 =	vperm.xlane v3, v0;
	_ =	sdelay $0x1  }
0x5c: {  	v4 =	vadd.s32 v1, v4;
	_ =	sdelay $0x3  }
0x5d: {  	v3 =	vperm.xlane v3, v2  }
0x5e: {  	[tilespmem:s24], [sflag:$0x1] =	stream.indirect_vreg.gather [hbm4b:s1+s3], $0x80, v4, vm0, $0xb8;
	[tilespmem:$0xC200] =	vst v63  }
0x5f: {  	v3 =	vadd.s32 v1, v3  }
0x60: {  	[tilespmem:s25], [sflag:$0x1] =	stream.indirect_vreg.gather [hbm4b:s5+s3], $0x80, v4, vm0, $0xb8;
	[tilespmem:$0xC200] =	vst v63  }
0x61: {  	_ = 	snop  }
0x62: {  	[tilespmem:s26], [sflag:$0x1] =	stream.indirect_vreg.gather [hbm4b:s6+s3], $0x80, v4, vm0, $0xb8;
	[tilespmem:$0xC200] =	vst v63  }
0x63: {  	_ = 	snop  }
0x64: {  	[tilespmem:s28], [sflag:$0x1] =	stream.indirect_vreg.gather [hbm4b:s1+s3], $0x80, v3, vm0, $0xb8;
	[tilespmem:$0xC200] =	vst v63  }
0x65: {  	_ = 	snop  }
0x66: {  	[tilespmem:s29], [sflag:$0x1] =	stream.indirect_vreg.gather [hbm4b:s5+s3], $0x80, v3, vm0, $0xb8;
	[tilespmem:$0xC200] =	vst v63  }
0x67: {  	_ = 	snop  }
0x68: {  	[tilespmem:s30], [sflag:$0x1] =	stream.indirect_vreg.gather [hbm4b:s6+s3], $0x80, v3, vm0, $0xb8;
	[tilespmem:$0xC200] =	vst v63  }
0x69: {  	_ =	swait.ge [sflag:s31], $0x3000  }
0x6a: {  	[sflag:s31] =	ssyncset.done $0x0  }
0x6b: {  	[sflag:s31] =	ssyncadd.s32 $0xFFFFD000  }
0x6c: {  	[hbm4b:s4+s3] =	stream.linear.scatter [tilespmem:s9], [sflag:$0x2], $0x3000, $0x38;
	[tilespmem:$0xC200] =	vst v63  }
0x6d: {  	_ =	swait.ge [sflag:s31], $0x3000  }
0x6e: {  	[sflag:s31] =	ssyncset.done $0x0  }
0x6f: {  	s10 =	rddreg [dreg:$0x4];
	[sflag:s31] =	ssyncadd.s32 $0xFFFFD000  }
0x70: {  	[hbm4b:s10+s3] =	stream.linear.scatter [tilespmem:s12], [sflag:$0x2], $0x3000, $0x38;
	[tilespmem:$0xC200] =	vst v63  }
0x71: {  	_ =	swait.ge [sflag:s31], $0x3000  }
0x72: {  	[sflag:s31] =	ssyncset.done $0x0  }
0x73: {  	s10 =	rddreg [dreg:$0x5];
	[sflag:s31] =	ssyncadd.s32 $0xFFFFD000  }
0x74: {  	[hbm4b:s10+s3] =	stream.linear.scatter [tilespmem:s18], [sflag:$0x2], $0x3000, $0x38;
	[tilespmem:$0xC200] =	vst v63  }
0x75: {  	_ =	swait.ge [sflag:s31], $0x3000  }
0x76: {  	[sflag:s31] =	ssyncset.done $0x0  }
0x77: {  	s10 =	rddreg [dreg:$0x6];
	[sflag:s31] =	ssyncadd.s32 $0xFFFFD000  }
0x78: {  	[hbm4b:s10+s3] =	stream.linear.scatter [tilespmem:s24], [sflag:$0x2], $0x3000, $0x38;
	[tilespmem:$0xC200] =	vst v63  }
0x79: {  	_ =	swait.ge [sflag:s0], $0x3000  }
0x7a: {  	[sflag:s0] =	ssyncset.done $0x0  }
0x7b: {  	[sflag:s0] =	ssyncadd.s32 $0xFFFFD000  }
0x7c: {  	_ =	swait.ge [sflag:s0], $0x3000  }
0x7d: {  	[sflag:s0] =	ssyncset.done $0x0  }
0x7e: {  	[sflag:s0] =	ssyncadd.s32 $0xFFFFD000  }
0x7f: {  	p0 =	sne.s32 s7, $0x1;
	_ =	swait.ge [sflag:s0], $0x3000  }
.Ltmp0:
0x80: {  	[sflag:s0] =	ssyncset.done $0x0;
	(pc) =	sbr.rel @p0 .LBB2_1-.Ltmp0, $4  }
0x81: {  	[sflag:s0] =	ssyncadd.s32 $0xFFFFD000  }
0x82: {  	_ =	swait.ge [sflag:s0], $0x3000  }
0x83: {  	[sflag:s0] =	ssyncset.done $0x0  }
0x84: {  	s7 =	sadd.s32 $0xFFFFFFFF, s7;
	[sflag:s0] =	ssyncadd.s32 $0xFFFFD000  }
0x85: {  	_ =	sfence.sel $0x180000  }
0x86: {  	[bflag:$0x0] =	sbarrier.arrive $0xFFFF  }
0x87: {  	_ =	strace $0x9000004D  }
0x88: {  	s0 =	stileid.u32;
	[bflag:$0x2] =	sbarrier.arrive $0xFFFF  }
0x89: {  	p0 =	sne.s32 s0, $0x0;
	s0 =	rddreg [dreg:$0x2]  }
0x8a: {  	s0 =	sadd.s32 @!p0 $0x100000, s0  }
0x8b: {  	[sflag:s0] =	ssyncadd.tile.s32 @!p0 $0x1;
	_ =	shalt  }
.Lfunc_end2:
_tile_overlayer_lowered:
.L_overlay_start_2:
0x8c: {  	(tag) =	ssettag $0x2  }
0x8d: {  	s0 =	rddreg [dreg:$0x0];
	s2 =	stileid.u32  }
0x8e: {  	s1 =	rddreg [dreg:$0x1];
	p0 =	sne.s32 s2, $0x0  }
0x8f: {  	s3 =	rddreg [dreg:$0x2];
	[bflag:$0x3] =	sbarrier.arrive $0xFFFF;
	s2 =	simm.s32 @!p0 $0x1C03  }
0x90: {  	[timem:s3], [sflag:s2] =	dma.local @!p0 [hbm:s0], s1  }
0x91: {  	s0 =	simm.s32 @!p0 $0x3  }
0x92: {  	_ =	swait.ge @!p0 [sflag:s0], s1  }
0x93: {  	s1 =	ssub.s32 @!p0 $0x0, s1;
	[sflag:s0] =	ssyncset.done @!p0 $0x0  }
0x94: {  	[sflag:s0] =	ssyncadd.s32 @!p0 s1  }
0x95: {  	[bflag:$0x3] =	sbarrier.arrive $0xFFFF  }
0x96: {  	_ =	shalt  }

// kernel: kernel.19.cloned.1.call-start
scs
__scs_entry_jumppad:
0x0: {  	(pc) =	sbr.rel $0x88, $3  }
0x1: {  	(tag) =	ssettag $0x0;
	lr =	simm.s32 $0x1  }
0x2: {  	[smem:$0x3F9A] =	sst lr;
	_ =	strace $0xD0000000  }
0x3: {  	_ = 	snop  }
0x4: {  	_ = 	snop  }
0x5: {  	_ = 	snop  }
0x6: {  	_ = 	snop  }
0x7: {  	_ = 	snop  }
__scs_overlays_trampoline_lowered:
0x8: {  	[smem:$0x3FA9] =	sst s0  }
0x9: {  	[smem:$0x3FAA] =	sst s1  }
0xa: {  	[smem:$0x3FAB] =	sst s2  }
0xb: {  	[smem:$0x3FAC] =	sst s3  }
0xc: {  	[smem:$0x3FAD] =	sst s4  }
0xd: {  	[smem:$0x3FAE] =	sst s5  }
0xe: {  	[smem:$0x3FAF] =	sst s6  }
0xf: {  	[smem:$0x3FB0] =	sst s7  }
0x10: {  	[smem:$0x3FB1] =	sst s8  }
0x11: {  	[smem:$0x3FB2] =	sst s9;
	s0 =	simm.s32 @!p0 $0x0  }
0x12: {  	s1 =	sld [smem:$0x3F98];
	s0 =	simm.s32 @p0 $0x1  }
0x13: {  	[smem:$0x3FB3] =	sst s0;
	s0 =	simm.s32 @!p1 $0x0  }
0x14: {  	s2 =	sld [smem:$0x3F97];
	s0 =	simm.s32 @p1 $0x1  }
0x15: {  	[smem:$0x3FB4] =	sst s0;
	s0 =	simm.s32 @!p2 $0x0  }
0x16: {  	s3 =	sld [smem:$0x3FDB];
	s0 =	simm.s32 @p2 $0x1  }
0x17: {  	s4 =	simm.s32 $0x1BF5;
	[smem:$0x3FB6] =	sst s0  }
0x18: {  	s0 =	sld [smem:$0x3F99];
	_ =	swait.ge [sflag:s4], $0x0  }
0x19: {  	s7 =	sld [smem:$0x3F9A]  }
0x1a: {  	s8 =	sadd.s32 $0xFFFFE003, lr  }
0x1b: {  	s9 =	sadd.s32 $0xFFFFFEF7, lr;
	s5 =	simm.s32 $0xFFFFFFFF;
	p2 =	slt.u32 s8, $0xFFFFF086  }
0x1c: {  	p1 =	slt.u32 s9, $0xF7A;
	s5 =	simm.s32 @!p2 $0x0  }
0x1d: {  	s5 =	simm.s32 @p1 $0x1;
	p0 =	seq.s32 s7, s2  }
0x1e: {  	s7 =	smul.u32 @!p0 $0xF7A, s2;
	p2 =	seq.s32 @!p0 s5, $0x0  }
0x1f: {  	s9 =	smul.u32 $0xF7A, s1;
	s8 =	simm.s32 @!p0 $0x1BF5;
	p2 =	por !p2, p0  }
0x20: {  	[sflag:s8] =	ssyncset.s32 @!p0 $0xFFFFF086;
	s6 =	sadd.s32 @!p0 s3, s7;
	s7 =	simm.s32 @!p0 $0x108  }
0x21: {  	s3 =	sadd.s32 s3, s9;
	s6 =	sadd.s32 @!p0 $0x88, s6;
	s7 =	simm.s32 @p2 $0x1082  }
0x22: {  	[simem:s7], [sflag:s8] =	dma.local @!p0 [hbm:s6], $0xF7A  }
0x23: {  	s9 =	sor.u32 $0xD0000000, s2;
	s6 =	simm.s32 $0x108;
	_ =	swait.ge @!p0 [sflag:s8], $0x0  }
0x24: {  	s3 =	sadd.s32 $0x88, s3;
	s6 =	simm.s32 @!p1 $0x1082;
	[sflag:s4] =	ssyncset.s32 $0xFFFFF086  }
0x25: {  	[simem:s6], [sflag:s4] =	dma.local [hbm:s3], $0xF7A  }
0x26: {  	[smem:$0x3F9A] =	sst s1;
	(tag) =	ssettag s2;
	_ =	strace s9  }
0x27: {  	s1 =	sld [smem:$0x3FAA]  }
0x28: {  	s2 =	sld [smem:$0x3FAB]  }
0x29: {  	s4 =	sld [smem:$0x3FAD]  }
0x2a: {  	p0 =	seq.s32 s5, $0x0;
	s5 =	sld [smem:$0x3FAE]  }
0x2b: {  	s6 =	sld [smem:$0x3FAF]  }
0x2c: {  	s7 =	sld [smem:$0x3FB0]  }
0x2d: {  	s3 =	simm.s32 $0x108;
	s8 =	sld [smem:$0x3FB1]  }
0x2e: {  	s3 =	simm.s32 @!p0 $0x1082;
	s9 =	sld [smem:$0x3FB2]  }
0x2f: {  	lr =	sadd.s32 s0, s3;
	s0 =	sld [smem:$0x3FA9]  }
0x30: {  	s3 =	sld [smem:$0x3FAC]  }
0x31: {  	[smem:$0x3FB5] =	sst s10  }
0x32: {  	s10 =	sld [smem:$0x3FB3];
	_ =	sdelay $0x3  }
0x33: {  	p0 =	seq.s32 s10, $0x1;
	s10 =	sld [smem:$0x3FB5];
	_ =	sdelay $0x3  }
0x34: {  	[smem:$0x3FB5] =	sst s10  }
0x35: {  	s10 =	sld [smem:$0x3FB4];
	_ =	sdelay $0x3  }
0x36: {  	p1 =	seq.s32 s10, $0x1;
	s10 =	sld [smem:$0x3FB5];
	_ =	sdelay $0x3  }
0x37: {  	[smem:$0x3FB5] =	sst s10  }
0x38: {  	s10 =	sld [smem:$0x3FB6]  }
0x39: {  	_ = 	snop;
	(pc) =	sbr.ind lr, $3  }
0x3a: {  	_ = 	snop  }
0x3b: {  	_ = 	snop  }
0x3c: {  	p2 =	seq.s32 s10, $0x1;
	s10 =	sld [smem:$0x3FB5]  }
0x3d: {  	_ =	shalt  }
0x3e: {  	_ =	shalt  }
0x3f: {  	_ =	shalt  }
0x40: {  	_ =	shalt  }
0x41: {  	_ =	shalt  }
0x42: {  	_ =	shalt  }
0x43: {  	_ =	shalt  }
0x44: {  	_ =	shalt  }
0x45: {  	_ =	shalt  }
0x46: {  	_ =	shalt  }
0x47: {  	_ =	shalt  }
0x48: {  	_ =	shalt  }
0x49: {  	_ =	shalt  }
0x4a: {  	_ =	shalt  }
0x4b: {  	_ =	shalt  }
0x4c: {  	_ =	shalt  }
0x4d: {  	_ =	shalt  }
0x4e: {  	_ =	shalt  }
0x4f: {  	_ =	shalt  }
0x50: {  	_ =	shalt  }
0x51: {  	_ =	shalt  }
0x52: {  	_ =	shalt  }
0x53: {  	_ =	shalt  }
0x54: {  	_ =	shalt  }
0x55: {  	_ =	shalt  }
0x56: {  	_ =	shalt  }
0x57: {  	_ =	shalt  }
0x58: {  	_ =	shalt  }
0x59: {  	_ =	shalt  }
0x5a: {  	_ =	shalt  }
0x5b: {  	_ =	shalt  }
0x5c: {  	_ =	shalt  }
0x5d: {  	_ =	shalt  }
0x5e: {  	_ =	shalt  }
0x5f: {  	_ =	shalt  }
0x60: {  	_ =	shalt  }
0x61: {  	_ =	shalt  }
0x62: {  	_ =	shalt  }
0x63: {  	_ =	shalt  }
0x64: {  	_ =	shalt  }
0x65: {  	_ =	shalt  }
0x66: {  	_ =	shalt  }
0x67: {  	_ =	shalt  }
0x68: {  	_ =	shalt  }
0x69: {  	_ =	shalt  }
0x6a: {  	_ =	shalt  }
0x6b: {  	_ =	shalt  }
0x6c: {  	_ =	shalt  }
0x6d: {  	_ =	shalt  }
0x6e: {  	_ =	shalt  }
0x6f: {  	_ =	shalt  }
0x70: {  	_ =	shalt  }
0x71: {  	_ =	shalt  }
0x72: {  	_ =	shalt  }
0x73: {  	_ =	shalt  }
0x74: {  	_ =	shalt  }
0x75: {  	_ =	shalt  }
0x76: {  	_ =	shalt  }
0x77: {  	_ =	shalt  }
0x78: {  	_ =	shalt  }
0x79: {  	_ =	shalt  }
0x7a: {  	_ =	shalt  }
0x7b: {  	_ =	shalt  }
0x7c: {  	_ =	shalt  }
0x7d: {  	_ =	shalt  }
0x7e: {  	_ =	shalt  }
0x7f: {  	_ =	shalt  }
0x80: {  	_ =	shalt  }
0x81: {  	_ =	shalt  }
0x82: {  	_ =	shalt  }
0x83: {  	_ =	shalt  }
0x84: {  	_ =	shalt  }
0x85: {  	_ =	shalt  }
0x86: {  	_ =	shalt  }
0x87: {  	_ =	shalt  }
.Lfunc_end0:
.L_simem_size_0:
called_computation.3_lowered:
.L_overlay_start_0:
0x88: {  	s2 =	sld [smem:$0x3FD9]  }
0x89: {  	s3 =	sld [smem:$0x3FFE];
	_ =	sdelay $0x1  }
0x8a: {  	s1 =	srdreg.scid  }
0x8b: {  	s0 =	sand.u32 $0x1, s1  }
0x8c: {  	s17 =	sshll.u32 s0, $0xA;
	s2 =	sadd.s32 s3, s2  }
0x8d: {  	s2 =	sadd.s32 s2, s17  }
0x8e: {  	[smem:$0x3FC1] =	sst s2  }
0x8f: {  	_ = 	snop  }
0x90: {  	s18 =	sld [smem:$0x3FC7];
	(tm) =	ssettm $0x1  }
0x91: {  	s19 =	sld [smem:$0x3FFB];
	_ =	sdelay $0x3  }
0x92: {  	_ =	strace s19  }
0x93: {  	s2 =	sld [smem:$0x3FFC];
	_ =	sdelay $0x3  }
0x94: {  	_ =	strace s2  }
0x95: {  	s2 =	sld [smem:$0x3FFD];
	_ =	sdelay $0x3  }
0x96: {  	_ =	strace s2  }
0x97: {  	_ =	strace $0x8FFFFFFF  }
0x98: {  	s20 =	sld [smem:$0x3FDB];
	_ =	sdelay $0x1  }
0x99: {  	s4 =	simm.s32 $_scs_section_size  }
0x9a: {  	s5 =	simm.s32 $_size__tile_overlayer_lowered;
	s6 =	simm.s32 $_tile_overlayer_lowered  }
0x9b: {  	s7 =	simm.s32 $0x1BFF;
	s21 =	sshll.u32 s6, $0x1;
	s4 =	sadd.s32 s4, s20  }
0x9c: {  	s22 =	simm.s32 $0x0;
	s5 =	sshll.u32 s5, $0x1;
	s6 =	sadd.s32 s21, s4  }
0x9d: {  	[timem:s22], [sflag:s7] =	dma.local [hbm:s6], s5  }
0x9e: {  	_ =	swait.ge [sflag:s7], s5  }
0x9f: {  	s5 =	ssub.s32 $0x0, s5;
	[sflag:s7] =	ssyncset.done $0x0  }
0xa0: {  	[sflag:s7] =	ssyncadd.s32 s5;
	_ =	sdelay $0x1  }
0xa1: {  	s23 =	simm.s32 $0x1B8B  }
0xa2: {  	_ =	swait.ge [sflag:s23], $0x1  }
0xa3: {  	[sflag:s23] =	ssyncset.done $0x0  }
0xa4: {  	[sflag:s23] =	ssyncadd.s32 $0xFFFFFFFF  }
0xa5: {  	s5 =	sld [smem:$0x0]  }
0xa6: {  	s6 =	sand.u32 $0xFFFFFFFE, s1  }
0xa7: {  	p0 =	sne.s32 s1, s6  }
0xa8: {  	s6 =	sshll.u32 @p0 s6, $0xE  }
0xa9: {  	s6 =	sadd.s32 @p0 $0x11B8D, s6;
	s7 =	sshll.u32 @p0 s5, $0x11  }
0xaa: {  	s6 =	sor.u32 @p0 s7, s6  }
0xab: {  	[sflag:s6] =	ssyncadd.remote.s32 @p0 $0x1;
	_ =	sdelay $0x1  }
0xac: {  	s6 =	simm.s32 @p0 $0x1B8D  }
0xad: {  	_ =	swait.eq @p0 [sflag:s6], $0x1  }
0xae: {  	[sflag:s6] =	ssyncadd.s32 @p0 $0xFFFFFFFF  }
0xaf: {  	s7 =	sshll.u32 @!p0 s1, $0xE  }
0xb0: {  	s7 =	sor.u32 @!p0 $0x4000, s7;
	s6 =	simm.s32 @!p0 $0x1B8D  }
0xb1: {  	s5 =	sshll.u32 @!p0 s5, $0x11;
	s7 =	sadd.s32 @!p0 $0x11B8D, s7;
	_ =	swait.eq @!p0 [sflag:s6], $0x1  }
0xb2: {  	s5 =	sor.u32 @!p0 s5, s7;
	[sflag:s6] =	ssyncadd.s32 @!p0 $0xFFFFFFFF  }
0xb3: {  	s25 =	simm.s32 $0x1B8E;
	s24 =	sld [smem:$0x3FFE];
	[sflag:s5] =	ssyncadd.remote.s32 @!p0 $0x1  }
0xb4: {  	s26 =	simm.s32 $execute0_lowered;
	[smem:$0x3FD2] =	sst s25  }
0xb5: {  	s6 =	sshll.u32 s26, $0x1;
	_ =	strace $0x8000004F;
	[dreg:$0x1] =	wrdreg $0xFFFFFFFF  }
0xb6: {  	s28 =	simm.s32 $_size_execute0_lowered;
	s4 =	sadd.s32 s4, s6;
	[dreg:$0x0] =	wrdreg $0x0  }
0xb7: {  	s6 =	sshll.u32 s28, $0x1;
	[dreg:$0x2] =	wrdreg s4  }
0xb8: {  	[dreg:$0x3] =	wrdreg s6  }
0xb9: {  	[dreg:$0x4] =	wrdreg $0xC0  }
0xba: {  	_ =	task [dreg:s22], $0x5FFFF  }
0xbb: {  	[dreg:$0x1] =	wrdreg $0xFFFFFFFF  }
0xbc: {  	[dreg:$0x0] =	wrdreg $0x60  }
0xbd: {  	[dreg:$0x2] =	wrdreg s18  }
0xbe: {  	[dreg:$0x3] =	wrdreg s24  }
0xbf: {  	[dreg:$0x4] =	wrdreg $0xC  }
0xc0: {  	_ =	task.clear_ibuf [dreg:s22], $0x5FFFF;
	_ =	strace $0x9000004F  }
0xc1: {  	s29 =	simm.s32 $0xC;
	_ =	strace $0x80000051  }
0xc2: {  	_ =	swait.ge [sflag:s29], $0x1  }
0xc3: {  	[sflag:s29] =	ssyncadd.s32 $0xFFFFFFFF  }
0xc4: {  	_ =	strace $0x90000051  }
0xc5: {  	_ =	sfence  }
0xc6: {  	s30 =	sld [smem:$0x0];
	_ =	sdelay $0x2  }
0xc7: {  	s31 =	sshll.u32 s1, $0xD;
	s1 =	sshrl.u32 s1, $0x2  }
0xc8: {  	s4 =	sand.u32 $0x4000, s31;
	s1 =	sadd.s32 s1, s30  }
0xc9: {  	s0 =	sor.u32 s4, s0;
	s1 =	sshll.u32 s1, $0x11  }
0xca: {  	s0 =	sor.u32 s1, s0  }
0xcb: {  	s0 =	sadd.s32 $0x8F2B, s0  }
0xcc: {  	[sflag:s0] =	ssyncadd.remote.s32 $0x1  }
0xcd: {  	_ =	sfence.sel $0xFFFF  }
0xce: {  	[dreg:$0x0] =	wrdreg $0xFFFFFFFF;
	(pc) =	sbr.abs _section_cstart, $3  }
0xcf: {  	[dreg:$0x1] =	wrdreg $0xFFFFFFFF  }
0xd0: {  	_ =	task.clear_ibuf [dreg:s22], $0x2FFFF;
	_ =	strace $0x9FFFFFFF  }
0xd1: {  	(tm) =	ssettm $0x7FFFFFFF  }
tec
execute0_lowered:
.L_overlay_start_1:
0x0: {  	(tag) =	ssettag $0x1  }
0x1: {  	s1 =	rddreg [dreg:$0x0]  }
0x2: {  	s0 =	rddreg [dreg:$0x1]  }
0x3: {  	s2 =	srdreg.scid;
	s17 =	stileid.u32  }
0x4: {  	s3 =	simm.s32 $0x0;
	s24 =	simm.s32 $0xA00;
	s25 =	simm.s32 $0x1200  }
0x5: {  	s26 =	simm.s32 $0x1A00;
	s11 =	simm.s32 $0x2A00;
	s12 =	simm.s32 $0x3200  }
0x6: {  	s13 =	simm.s32 $0x3A00;
	s14 =	simm.s32 $0x4200;
	s15 =	simm.s32 $0x4A00  }
0x7: {  	s16 =	simm.s32 $0x5200;
	s28 =	simm.s32 $0xAA00;
	s29 =	simm.s32 $0xB200  }
0x8: {  	s30 =	simm.s32 $0xBA00;
	s31 =	simm.s32 $0x1;
	s4 =	sand.u32 $0x1, s2  }
0x9: {  	s5 =	sshll.u32 s17, $0x4;
	[smem:$0x7FF] =	sst s3;
	s20 =	sshll.u32 s17, $0x7  }
0xa: {  	s17 =	simm.s32 $0x5A00;
	_ =	strace $0x80000050;
	[dreg:$0x7] =	wrdreg s24  }
0xb: {  	s6 =	sshll.u32 s4, $0x3;
	s7 =	sshll.u32 s4, $0x6;
	[dreg:$0x8] =	wrdreg s25  }
0xc: {  	s8 =	ssub.s32 $0x2, s4;
	[dreg:$0x9] =	wrdreg s26;
	s24 =	simm.s32 $0x9200  }
0xd: {  	s25 =	simm.s32 $0x9A00;
	s26 =	simm.s32 $0xA200;
	s5 =	sor.u32 s6, s5  }
0xe: {  	s18 =	sadd.s32 s7, s0;
	s0 =	sadd.s32 $0x64600, s0;
	s19 =	smul.u32 $0x300, s5  }
0xf: {  	s9 =	sshrl.u32 s8, $0x1;
	s5 =	smul.u32 $0x1800, s5;
	s4 =	sadd.s32 s20, s18  }
0x10: {  	s22 =	ssub.s32 s8, s9;
	s8 =	simm.s32 $0x3;
	s9 =	simm.s32 $0x200  }
0x11: {  	s18 =	simm.s32 $0x6200;
	s20 =	simm.s32 $0x7200;
	s6 =	sadd.s32 $0x3E00, s4  }
0x12: {  	s7 =	smax.u32 s22, $0x1;
	s22 =	simm.s32 $0x8200;
	s4 =	sadd.s32 s0, s19  }
0x13: {  	s5 =	sshrl.u32 s5, $0x3;
	[dreg:$0x3] =	wrdreg s6;
	s6 =	sadd.s32 $0x200, s1  }
0x14: {  	s19 =	simm.s32 $0x6A00;
	s21 =	sadd.s32 $0x600, s4;
	s0 =	sadd.s32 s0, s5  }
0x15: {  	v2 =	vlaneseq.u32;
	s5 =	sadd.s32 $0x100, s1;
	[dreg:$0x4] =	wrdreg s21;
	s23 =	sadd.s32 $0xC00, s0  }
0x16: {  	vm0 =	vmmov $0xffff;
	v1 =	vshrl.u32 v2, $0x3;
	s0 =	sadd.s32 $0x1200, s0;
	s21 =	simm.s32 $0x7A00;
	[dreg:$0x5] =	wrdreg s23  }
0x17: {  	v0 =	vand.u32 $0x7, v2;
	v2 =	vor.u32 $0x8, v2;
	v1 =	vmul.u32 $0x8, v1;
	[dreg:$0x6] =	wrdreg s0;
	s23 =	simm.s32 $0x8A00;
	s0 =	simm.s32 $0x2  }
.LBB2_1:
0x18: {  	s2 =	rddreg [dreg:$0x3]  }
0x19: {  	[tilespmem:s3], [sflag:$0x3] =	stream.linear.gather [hbm4b:s2+s3], $0x200, $0x38;
	[tilespmem:$0xC200] =	vst v63  }
0x1a: {  	_ =	swait.ge [sflag:s8], $0x200  }
0x1b: {  	[sflag:s8] =	ssyncset.done $0x0  }
0x1c: {  	[sflag:s8] =	ssyncadd.s32 $0xFFFFFE00  }
0x1d: {  	v3 =	vld [tilespmem:$0x0];
	_ =	sdelay $0x4  }
0x1e: {  	v4 =	vshrl.u32 v3, $0x3  }
0x1f: {  	v4 =	vmul.u32 $0x30, v4  }
0x20: {  	v3 =	vand.u32 $0x7, v3  }
0x21: {  	v3 =	vor.u32 v3, v4  }
0x22: {  	v4 =	vperm.xlane v3, v0;
	_ =	sdelay $0x1  }
0x23: {  	v4 =	vadd.s32 v1, v4;
	_ =	sdelay $0x3  }
0x24: {  	v3 =	vperm.xlane v3, v2  }
0x25: {  	[tilespmem:s9], [sflag:$0x1] =	stream.indirect_vreg.gather [hbm4b:s1+s3], $0x80, v4, vm0, $0xb8;
	[tilespmem:$0xC200] =	vst v63  }
0x26: {  	s2 =	rddreg [dreg:$0x7];
	v3 =	vadd.s32 v1, v3  }
0x27: {  	[tilespmem:s2], [sflag:$0x1] =	stream.indirect_vreg.gather [hbm4b:s5+s3], $0x80, v4, vm0, $0xb8;
	[tilespmem:$0xC200] =	vst v63  }
0x28: {  	s10 =	rddreg [dreg:$0x8]  }
0x29: {  	[tilespmem:s10], [sflag:$0x1] =	stream.indirect_vreg.gather [hbm4b:s6+s3], $0x80, v4, vm0, $0xb8;
	[tilespmem:$0xC200] =	vst v63  }
0x2a: {  	s2 =	rddreg [dreg:$0x9]  }
0x2b: {  	[tilespmem:s2], [sflag:$0x1] =	stream.indirect_vreg.gather [hbm4b:s1+s3], $0x80, v3, vm0, $0xb8;
	[tilespmem:$0xC200] =	vst v63  }
0x2c: {  	s10 =	simm.s32 $0x2200  }
0x2d: {  	[tilespmem:s10], [sflag:$0x1] =	stream.indirect_vreg.gather [hbm4b:s5+s3], $0x80, v3, vm0, $0xb8;
	[tilespmem:$0xC200] =	vst v63  }
0x2e: {  	_ = 	snop  }
0x2f: {  	[tilespmem:s11], [sflag:$0x1] =	stream.indirect_vreg.gather [hbm4b:s6+s3], $0x80, v3, vm0, $0xb8;
	[tilespmem:$0xC200] =	vst v63  }
0x30: {  	v3 =	vld [tilespmem:$0x80];
	_ =	sdelay $0x4  }
0x31: {  	v61 =	vshrl.u32 v3, $0x3  }
0x32: {  	v4 =	vmul.u32 $0x30, v61  }
0x33: {  	v3 =	vand.u32 $0x7, v3  }
0x34: {  	v3 =	vor.u32 v3, v4  }
0x35: {  	v4 =	vperm.xlane v3, v0;
	_ =	sdelay $0x1  }
0x36: {  	v4 =	vadd.s32 v1, v4;
	_ =	sdelay $0x3  }
0x37: {  	v3 =	vperm.xlane v3, v2  }
0x38: {  	[tilespmem:s12], [sflag:$0x1] =	stream.indirect_vreg.gather [hbm4b:s1+s3], $0x80, v4, vm0, $0xb8;
	[tilespmem:$0xC200] =	vst v63  }
0x39: {  	v3 =	vadd.s32 v1, v3  }
0x3a: {  	[tilespmem:s13], [sflag:$0x1] =	stream.indirect_vreg.gather [hbm4b:s5+s3], $0x80, v4, vm0, $0xb8;
	[tilespmem:$0xC200] =	vst v63  }
0x3b: {  	_ = 	snop  }
0x3c: {  	[tilespmem:s14], [sflag:$0x1] =	stream.indirect_vreg.gather [hbm4b:s6+s3], $0x80, v4, vm0, $0xb8;
	[tilespmem:$0xC200] =	vst v63  }
0x3d: {  	_ = 	snop  }
0x3e: {  	[tilespmem:s15], [sflag:$0x1] =	stream.indirect_vreg.gather [hbm4b:s1+s3], $0x80, v3, vm0, $0xb8;
	[tilespmem:$0xC200] =	vst v63  }
0x3f: {  	_ = 	snop  }
0x40: {  	[tilespmem:s16], [sflag:$0x1] =	stream.indirect_vreg.gather [hbm4b:s5+s3], $0x80, v3, vm0, $0xb8;
	[tilespmem:$0xC200] =	vst v63  }
0x41: {  	_ = 	snop  }
0x42: {  	[tilespmem:s17], [sflag:$0x1] =	stream.indirect_vreg.gather [hbm4b:s6+s3], $0x80, v3, vm0, $0xb8;
	[tilespmem:$0xC200] =	vst v63  }
0x43: {  	v3 =	vld [tilespmem:$0x100];
	_ =	sdelay $0x4  }
0x44: {  	v62 =	vshrl.u32 v3, $0x3  }
0x45: {  	v4 =	vmul.u32 $0x30, v62  }
0x46: {  	v3 =	vand.u32 $0x7, v3  }
0x47: {  	v3 =	vor.u32 v3, v4  }
0x48: {  	v4 =	vperm.xlane v3, v0;
	_ =	sdelay $0x1  }
0x49: {  	v4 =	vadd.s32 v1, v4;
	_ =	sdelay $0x3  }
0x4a: {  	v3 =	vperm.xlane v3, v2  }
0x4b: {  	[tilespmem:s18], [sflag:$0x1] =	stream.indirect_vreg.gather [hbm4b:s1+s3], $0x80, v4, vm0, $0xb8;
	[tilespmem:$0xC200] =	vst v63  }
0x4c: {  	v3 =	vadd.s32 v1, v3  }
0x4d: {  	[tilespmem:s19], [sflag:$0x1] =	stream.indirect_vreg.gather [hbm4b:s5+s3], $0x80, v4, vm0, $0xb8;
	[tilespmem:$0xC200] =	vst v63  }
0x4e: {  	_ = 	snop  }
0x4f: {  	[tilespmem:s20], [sflag:$0x1] =	stream.indirect_vreg.gather [hbm4b:s6+s3], $0x80, v4, vm0, $0xb8;
	[tilespmem:$0xC200] =	vst v63  }
0x50: {  	_ = 	snop  }
0x51: {  	[tilespmem:s21], [sflag:$0x1] =	stream.indirect_vreg.gather [hbm4b:s1+s3], $0x80, v3, vm0, $0xb8;
	[tilespmem:$0xC200] =	vst v63  }
0x52: {  	_ = 	snop  }
0x53: {  	[tilespmem:s22], [sflag:$0x1] =	stream.indirect_vreg.gather [hbm4b:s5+s3], $0x80, v3, vm0, $0xb8;
	[tilespmem:$0xC200] =	vst v63  }
0x54: {  	_ = 	snop  }
0x55: {  	[tilespmem:s23], [sflag:$0x1] =	stream.indirect_vreg.gather [hbm4b:s6+s3], $0x80, v3, vm0, $0xb8;
	[tilespmem:$0xC200] =	vst v63  }
0x56: {  	v3 =	vld [tilespmem:$0x180];
	_ =	sdelay $0x4  }
0x57: {  	v63 =	vshrl.u32 v3, $0x3  }
0x58: {  	v4 =	vmul.u32 $0x30, v63  }
0x59: {  	v3 =	vand.u32 $0x7, v3  }
0x5a: {  	v3 =	vor.u32 v3, v4  }
0x5b: {  	v4 =	vperm.xlane v3, v0;
	_ =	sdelay $0x1  }
0x5c: {  	v4 =	vadd.s32 v1, v4;
	_ =	sdelay $0x3  }
0x5d: {  	v3 =	vperm.xlane v3, v2  }
0x5e: {  	[tilespmem:s24], [sflag:$0x1] =	stream.indirect_vreg.gather [hbm4b:s1+s3], $0x80, v4, vm0, $0xb8;
	[tilespmem:$0xC200] =	vst v63  }
0x5f: {  	v3 =	vadd.s32 v1, v3  }
0x60: {  	[tilespmem:s25], [sflag:$0x1] =	stream.indirect_vreg.gather [hbm4b:s5+s3], $0x80, v4, vm0, $0xb8;
	[tilespmem:$0xC200] =	vst v63  }
0x61: {  	_ = 	snop  }
0x62: {  	[tilespmem:s26], [sflag:$0x1] =	stream.indirect_vreg.gather [hbm4b:s6+s3], $0x80, v4, vm0, $0xb8;
	[tilespmem:$0xC200] =	vst v63  }
0x63: {  	_ = 	snop  }
0x64: {  	[tilespmem:s28], [sflag:$0x1] =	stream.indirect_vreg.gather [hbm4b:s1+s3], $0x80, v3, vm0, $0xb8;
	[tilespmem:$0xC200] =	vst v63  }
0x65: {  	_ = 	snop  }
0x66: {  	[tilespmem:s29], [sflag:$0x1] =	stream.indirect_vreg.gather [hbm4b:s5+s3], $0x80, v3, vm0, $0xb8;
	[tilespmem:$0xC200] =	vst v63  }
0x67: {  	_ = 	snop  }
0x68: {  	[tilespmem:s30], [sflag:$0x1] =	stream.indirect_vreg.gather [hbm4b:s6+s3], $0x80, v3, vm0, $0xb8;
	[tilespmem:$0xC200] =	vst v63  }
0x69: {  	_ =	swait.ge [sflag:s31], $0x3000  }
0x6a: {  	[sflag:s31] =	ssyncset.done $0x0  }
0x6b: {  	[sflag:s31] =	ssyncadd.s32 $0xFFFFD000  }
0x6c: {  	[hbm4b:s4+s3] =	stream.linear.scatter [tilespmem:s9], [sflag:$0x2], $0x3000, $0x38;
	[tilespmem:$0xC200] =	vst v63  }
0x6d: {  	_ =	swait.ge [sflag:s31], $0x3000  }
0x6e: {  	[sflag:s31] =	ssyncset.done $0x0  }
0x6f: {  	s10 =	rddreg [dreg:$0x4];
	[sflag:s31] =	ssyncadd.s32 $0xFFFFD000  }
0x70: {  	[hbm4b:s10+s3] =	stream.linear.scatter [tilespmem:s12], [sflag:$0x2], $0x3000, $0x38;
	[tilespmem:$0xC200] =	vst v63  }
0x71: {  	_ =	swait.ge [sflag:s31], $0x3000  }
0x72: {  	[sflag:s31] =	ssyncset.done $0x0  }
0x73: {  	s10 =	rddreg [dreg:$0x5];
	[sflag:s31] =	ssyncadd.s32 $0xFFFFD000  }
0x74: {  	[hbm4b:s10+s3] =	stream.linear.scatter [tilespmem:s18], [sflag:$0x2], $0x3000, $0x38;
	[tilespmem:$0xC200] =	vst v63  }
0x75: {  	_ =	swait.ge [sflag:s31], $0x3000  }
0x76: {  	[sflag:s31] =	ssyncset.done $0x0  }
0x77: {  	s10 =	rddreg [dreg:$0x6];
	[sflag:s31] =	ssyncadd.s32 $0xFFFFD000  }
0x78: {  	[hbm4b:s10+s3] =	stream.linear.scatter [tilespmem:s24], [sflag:$0x2], $0x3000, $0x38;
	[tilespmem:$0xC200] =	vst v63  }
0x79: {  	_ =	swait.ge [sflag:s0], $0x3000  }
0x7a: {  	[sflag:s0] =	ssyncset.done $0x0  }
0x7b: {  	[sflag:s0] =	ssyncadd.s32 $0xFFFFD000  }
0x7c: {  	_ =	swait.ge [sflag:s0], $0x3000  }
0x7d: {  	[sflag:s0] =	ssyncset.done $0x0  }
0x7e: {  	[sflag:s0] =	ssyncadd.s32 $0xFFFFD000  }
0x7f: {  	p0 =	sne.s32 s7, $0x1;
	_ =	swait.ge [sflag:s0], $0x3000  }
.Ltmp0:
0x80: {  	[sflag:s0] =	ssyncset.done $0x0;
	(pc) =	sbr.rel @p0 .LBB2_1-.Ltmp0, $4  }
0x81: {  	[sflag:s0] =	ssyncadd.s32 $0xFFFFD000  }
0x82: {  	_ =	swait.ge [sflag:s0], $0x3000  }
0x83: {  	[sflag:s0] =	ssyncset.done $0x0  }
0x84: {  	s7 =	sadd.s32 $0xFFFFFFFF, s7;
	[sflag:s0] =	ssyncadd.s32 $0xFFFFD000  }
0x85: {  	_ =	sfence.sel $0x180000  }
0x86: {  	[bflag:$0x0] =	sbarrier.arrive $0xFFFF  }
0x87: {  	_ =	strace $0x90000050  }
0x88: {  	s0 =	stileid.u32;
	[bflag:$0x2] =	sbarrier.arrive $0xFFFF  }
0x89: {  	p0 =	sne.s32 s0, $0x0;
	s0 =	rddreg [dreg:$0x2]  }
0x8a: {  	s0 =	sadd.s32 @!p0 $0x100000, s0  }
0x8b: {  	[sflag:s0] =	ssyncadd.tile.s32 @!p0 $0x1;
	_ =	shalt  }
.Lfunc_end2:
_tile_overlayer_lowered:
.L_overlay_start_2:
0x8c: {  	(tag) =	ssettag $0x2  }
0x8d: {  	s0 =	rddreg [dreg:$0x0];
	s2 =	stileid.u32  }
0x8e: {  	s1 =	rddreg [dreg:$0x1];
	p0 =	sne.s32 s2, $0x0  }
0x8f: {  	s3 =	rddreg [dreg:$0x2];
	[bflag:$0x3] =	sbarrier.arrive $0xFFFF;
	s2 =	simm.s32 @!p0 $0x1C03  }
0x90: {  	[timem:s3], [sflag:s2] =	dma.local @!p0 [hbm:s0], s1  }
0x91: {  	s0 =	simm.s32 @!p0 $0x3  }
0x92: {  	_ =	swait.ge @!p0 [sflag:s0], s1  }
0x93: {  	s1 =	ssub.s32 @!p0 $0x0, s1;
	[sflag:s0] =	ssyncset.done @!p0 $0x0  }
0x94: {  	[sflag:s0] =	ssyncadd.s32 @!p0 s1  }
0x95: {  	[bflag:$0x3] =	sbarrier.arrive $0xFFFF  }
0x96: {  	_ =	shalt  }

</sc_bundles>
